<compile_context>
chip_gen: v7x
topology: tpu7x:2x2x1
jax: 0.10.2.dev20260603
libtpu: 0.0.44.dev20260713+nightly
codegen_flags: <defaults>
</compile_context>

<pallas_src>
import jax
import jax.numpy as jnp
from jax import lax
from jax.experimental import pallas as pl
from jax.experimental.pallas import tpu as pltpu
from jax.experimental.pallas import tpu_sc as plsc

_NC = 2
_NS = 16
_NW = _NC * _NS
_LANES = 16
_GCHUNK = 128


def _sc_gather(flat_idx, tab_flat):
    n, d = flat_idx.shape[0], tab_flat.shape[1]
    bpw = n // _NW
    nch = bpw // _GCHUNK
    b_per_table = n // 4

    mesh = plsc.VectorSubcoreMesh(core_axis_name="c", subcore_axis_name="s")

    @jax.jit
    def run(flat_idx, tab_flat):
        @pl.kernel(
            mesh=mesh,
            out_type=jax.ShapeDtypeStruct((n, d), jnp.float32),
            scratch_types=[
                pltpu.VMEM((nch, _GCHUNK), jnp.int32),
                pltpu.VMEM((bpw, d), jnp.float32),
                pltpu.SemaphoreType.DMA((nch,)),
                pltpu.SemaphoreType.DMA,
            ],
        )
        def k(idx_hbm, tab_hbm, out_hbm, idx_v, rows_v, sem, wsem):
            wid = lax.axis_index("s") * _NC + lax.axis_index("c")
            base = wid * bpw
            toff = (base // b_per_table) * (tab_hbm.shape[0] // 4)
            for j in range(nch):
                pltpu.sync_copy(
                    idx_hbm.at[pl.ds(base + j * _GCHUNK, _GCHUNK)], idx_v.at[j]
                )
            tvec = jnp.full((_LANES,), toff, dtype=jnp.int32)
            for j in range(nch):
                for i in range(_GCHUNK // _LANES):
                    sl = pl.ds(i * _LANES, _LANES)
                    idx_v[j, sl] = idx_v[j, sl] + tvec
            gathers = []
            for j in range(nch):
                gathers.append(
                    pltpu.make_async_copy(
                        tab_hbm.at[idx_v.at[j]],
                        rows_v.at[pl.ds(j * _GCHUNK, _GCHUNK)],
                        sem.at[j],
                    )
                )
                gathers[-1].start()
            writes = []
            for j in range(nch):
                gathers[j].wait()
                writes.append(
                    pltpu.make_async_copy(
                        rows_v.at[pl.ds(j * _GCHUNK, _GCHUNK)],
                        out_hbm.at[pl.ds(base + j * _GCHUNK, _GCHUNK)],
                        wsem,
                    )
                )
                writes[-1].start()
            for w in writes:
                w.wait()

        return k(flat_idx, tab_flat)

    return run(flat_idx, tab_flat)


_NBUF = 2


def _make_concat_body(bB, nsteps):
    def _out_copy(buf, out_hbm, sems, i, slot):
        return pltpu.make_async_copy(
            buf.at[slot], out_hbm.at[:, pl.ds(i * bB, bB), :], sems.at[slot]
        )

    def _concat_body(emb_ref, feat_ref, out_hbm, buf, sems):
        T = emb_ref.shape[0]
        i = pl.program_id(0)
        slot = lax.rem(i, _NBUF)

        @pl.when(i >= _NBUF)
        def _():
            _out_copy(buf, out_hbm, sems, i - _NBUF, slot).wait()

        buf[slot, 0:T] = emb_ref[...]
        buf[slot, T:] = jnp.swapaxes(feat_ref[...], 0, 1)
        _out_copy(buf, out_hbm, sems, i, slot).start()

        @pl.when(i == nsteps - 1)
        def _():
            for k in range(1, _NBUF):
                j = i - _NBUF + k
                _out_copy(buf, out_hbm, sems, j, lax.rem(j, _NBUF)).wait()
            _out_copy(buf, out_hbm, sems, i, slot).wait()

    return _concat_body


def kernel(feature, indices, tables):
    B, L, D = feature.shape
    T, V, _ = tables.shape

    flat_idx = jnp.reshape(indices.astype(jnp.int32), (T * B,))
    tab_flat = jnp.reshape(tables, (T * V, D))

    embeds = _sc_gather(flat_idx, tab_flat)
    emb3 = jnp.reshape(embeds, (T, B, D))

    bB = 128
    nsteps = B // bB

    out_t = pl.pallas_call(
        _make_concat_body(bB, nsteps),
        grid=(nsteps,),
        in_specs=[
            pl.BlockSpec((T, bB, D), lambda i: (0, i, 0)),
            pl.BlockSpec((bB, L, D), lambda i: (i, 0, 0)),
        ],
        out_specs=pl.BlockSpec(memory_space=pl.ANY),
        out_shape=jax.ShapeDtypeStruct((L + T, B, D), jnp.float32),
        scratch_shapes=[
            pltpu.VMEM((_NBUF, L + T, bB, D), jnp.float32),
            pltpu.SemaphoreType.DMA((_NBUF,)),
        ],
        compiler_params=pltpu.CompilerParams(
            dimension_semantics=("arbitrary",),
        ),
    )(emb3, feature)
    return jnp.transpose(out_t, (1, 0, 2))

# --- scband reference (transcript-rebuilt; emitter-appended) ---
"""Pipeline reference for scband-conditioning-35364760715321 (READ-ONLY COPY).

The authoritative reference and input builder live on the scoring server;
editing this copy changes nothing except your own understanding.
"""

import jax, jax.numpy as jnp
import numpy as np

B = 4096
L = 200
D = 128
NUM_TABLES = 4
VOCAB = 1000

def setup_inputs(seed: int = 0) -> dict:
    key = jax.random.key(seed)
    k1, k2, k3 = jax.random.split(key, 3)
    feature = jax.random.normal(k1, (B, L, D), dtype=jnp.float32)
    indices = jax.random.randint(k2, (NUM_TABLES, B, 1), 0, VOCAB, dtype=jnp.int64)
    # Stacked embedding tables (all same vocab size), init like nn.Embedding (N(0,1))
    tables = jax.random.normal(k3, (NUM_TABLES, VOCAB, D), dtype=jnp.float32)
    return {"feature": feature, "indices": indices, "tables": tables}

def reference(feature, indices, tables):
    # Each embed(index) with index (B,1) -> (B,1,D); concat along dim=1 with feature (B,L,D)
    concat_embeds = [jnp.take(tables[i], indices[i], axis=0) for i in range(NUM_TABLES)]
    return jnp.concatenate(concat_embeds + [feature], axis=1)

if __name__ == "__main__":
    import jax
    _d = setup_inputs()
    print(jax.jit(kernel)(*tuple(_d.values())))

</pallas_src>

<mosaic_0001>
#map = affine_map<(d0, d1) -> (0)>
#map1 = affine_map<(d0, d1) -> (0, 0)>
module attributes {stable_mosaic.version = 14 : i64} {
  func.func @k(%arg0: i32, %arg1: i32, %arg2: memref<16384xi32, #tpu.memory_space<hbm>>, %arg3: memref<4000x128xf32, #tpu.memory_space<hbm>>, %arg4: memref<16384x128xf32, #tpu.memory_space<hbm>>, %arg5: memref<4x128xi32, #tpu.memory_space<vmem>>, %arg6: memref<512x128xf32, #tpu.memory_space<vmem>>, %arg7: memref<4x!tpu.dma_semaphore, #tpu.memory_space<semaphore_mem>>, %arg8: memref<!tpu.dma_semaphore, #tpu.memory_space<semaphore_mem>>) attributes {dimension_semantics = [#tpu.dimension_semantics<core_parallel>, #tpu.dimension_semantics<subcore_parallel>], iteration_bounds = array<i64: 2, 16>, scalar_prefetch = 0 : i64, scratch_operands = 4 : i64, tpu.core_type = #tpu.core_type<sc_vector_subcore>, window_params = [{transform_indices = #map}, {transform_indices = #map1}, {transform_indices = #map1}]} {
    %mul3A = arith.constant 2 : i32
    %mul3A_0 = arith.muli %arg1, %mul3A : i32
    %add3A = arith.addi %mul3A_0, %arg0 : i32
    %mul3A_1 = arith.constant 512 : i32
    %mul3A_2 = arith.muli %add3A, %mul3A_1 : i32
    %jit3A = arith.constant 4096 : i32
    %div3A = arith.divsi %mul3A_2, %jit3A : i32
    %sign3A = arith.constant 0 : i32
    %sign3A_3 = arith.cmpi sgt, %mul3A_2, %sign3A : i32
    %sign3A_4 = arith.extui %sign3A_3 : i1 to i32
    %sign3A_5 = arith.constant 0 : i32
    %sign3A_6 = arith.cmpi slt, %mul3A_2, %sign3A_5 : i32
    %sign3A_7 = arith.extui %sign3A_6 : i1 to i32
    %sign3A_8 = arith.subi %sign3A_4, %sign3A_7 : i32
    %sign3A_9 = arith.constant 0 : i32
    %sign3A_10 = arith.cmpi sgt, %jit3A, %sign3A_9 : i32
    %sign3A_11 = arith.extui %sign3A_10 : i1 to i32
    %sign3A_12 = arith.constant 0 : i32
    %sign3A_13 = arith.cmpi slt, %jit3A, %sign3A_12 : i32
    %sign3A_14 = arith.extui %sign3A_13 : i1 to i32
    %sign3A_15 = arith.subi %sign3A_11, %sign3A_14 : i32
    %ne3A = arith.cmpi ne, %sign3A_8, %sign3A_15 : i32
    %rem3A = arith.remsi %mul3A_2, %jit3A : i32
    %ne3A_16 = arith.constant 0 : i32
    %ne3A_17 = arith.cmpi ne, %rem3A, %ne3A_16 : i32
    %and3A = arith.andi %ne3A, %ne3A_17 : i1
    %sub3A = arith.constant 1 : i32
    %sub3A_18 = arith.subi %div3A, %sub3A : i32
    %select_n3A = arith.select %and3A, %sub3A_18, %div3A : i32
    %mul3A_19 = arith.constant 1000 : i32
    %mul3A_20 = arith.muli %select_n3A, %mul3A_19 : i32
    %add3A_21 = arith.constant 0 : i32
    %add3A_22 = arith.addi %mul3A_2, %add3A_21 : i32
    %run_scoped3A = arith.constant 0 : i32
    "tpu.region"() ({
      %run_scoped3A_604 = tpu.sem_alloc : memref<!tpu.dma_semaphore, #tpu.memory_space<semaphore_mem>>
      %dma_start3A_605 = arith.constant 0 : i32
      %dma_start3A_606 = tpu.memref_slice %arg5[%run_scoped3A, %dma_start3A_605] : memref<4x128xi32, #tpu.memory_space<vmem>> -> memref<1x128xi32, #tpu.memory_space<vmem>>
      %dma_start3A_607 = tpu.memref_squeeze %dma_start3A_606 : memref<1x128xi32, #tpu.memory_space<vmem>> -> memref<128xi32, #tpu.memory_space<vmem>>
      %dma_start3A_608 = tpu.memref_slice %arg2[%add3A_22] : memref<16384xi32, #tpu.memory_space<hbm>> -> memref<128xi32, #tpu.memory_space<hbm>>
      %dma_start3A_609 = arith.constant 0 : i32
      %dma_start3A_610 = tpu.memref_slice %arg5[%run_scoped3A, %dma_start3A_609] : memref<4x128xi32, #tpu.memory_space<vmem>> -> memref<1x128xi32, #tpu.memory_space<vmem>>
      %dma_start3A_611 = tpu.memref_squeeze %dma_start3A_610 : memref<1x128xi32, #tpu.memory_space<vmem>> -> memref<128xi32, #tpu.memory_space<vmem>>
      %dma_start3A_612 = tpu.memref_slice %arg2[%add3A_22] : memref<16384xi32, #tpu.memory_space<hbm>> -> memref<128xi32, #tpu.memory_space<hbm>>
      tpu.enqueue_dma source(%dma_start3A_612 : memref<128xi32, #tpu.memory_space<hbm>>) target(%dma_start3A_611 : memref<128xi32, #tpu.memory_space<vmem>>) target_semaphore(%run_scoped3A_604 : memref<!tpu.dma_semaphore, #tpu.memory_space<semaphore_mem>>)
      %dma_wait3A_613 = arith.constant 0 : i32
      %dma_wait3A_614 = tpu.memref_slice %arg5[%run_scoped3A, %dma_wait3A_613] : memref<4x128xi32, #tpu.memory_space<vmem>> -> memref<1x128xi32, #tpu.memory_space<vmem>>
      %dma_wait3A_615 = tpu.memref_squeeze %dma_wait3A_614 : memref<1x128xi32, #tpu.memory_space<vmem>> -> memref<128xi32, #tpu.memory_space<vmem>>
      %dma_wait3A_616 = tpu.memref_slice %arg2[%add3A_22] : memref<16384xi32, #tpu.memory_space<hbm>> -> memref<128xi32, #tpu.memory_space<hbm>>
      %dma_wait3A_617 = arith.constant 0 : i32
      %dma_wait3A_618 = tpu.memref_slice %arg5[%run_scoped3A, %dma_wait3A_617] : memref<4x128xi32, #tpu.memory_space<vmem>> -> memref<1x128xi32, #tpu.memory_space<vmem>>
      %dma_wait3A_619 = tpu.memref_squeeze %dma_wait3A_618 : memref<1x128xi32, #tpu.memory_space<vmem>> -> memref<128xi32, #tpu.memory_space<vmem>>
      %dma_wait3A_620 = tpu.memref_slice %arg2[%add3A_22] : memref<16384xi32, #tpu.memory_space<hbm>> -> memref<128xi32, #tpu.memory_space<hbm>>
      tpu.wait_dma2 semaphore(%run_scoped3A_604 : memref<!tpu.dma_semaphore, #tpu.memory_space<semaphore_mem>>) src(%dma_wait3A_620 : memref<128xi32, #tpu.memory_space<hbm>>) dst(%dma_wait3A_619 : memref<128xi32, #tpu.memory_space<vmem>>)
      tpu.yield
    }) : () -> ()
    %add3A_23 = arith.constant 128 : i32
    %add3A_24 = arith.addi %mul3A_2, %add3A_23 : i32
    %run_scoped3A_25 = arith.constant 1 : i32
    "tpu.region"() ({
      %run_scoped3A_604 = tpu.sem_alloc : memref<!tpu.dma_semaphore, #tpu.memory_space<semaphore_mem>>
      %dma_start3A_605 = arith.constant 0 : i32
      %dma_start3A_606 = tpu.memref_slice %arg5[%run_scoped3A_25, %dma_start3A_605] : memref<4x128xi32, #tpu.memory_space<vmem>> -> memref<1x128xi32, #tpu.memory_space<vmem>>
      %dma_start3A_607 = tpu.memref_squeeze %dma_start3A_606 : memref<1x128xi32, #tpu.memory_space<vmem>> -> memref<128xi32, #tpu.memory_space<vmem>>
      %dma_start3A_608 = tpu.memref_slice %arg2[%add3A_24] : memref<16384xi32, #tpu.memory_space<hbm>> -> memref<128xi32, #tpu.memory_space<hbm>>
      %dma_start3A_609 = arith.constant 0 : i32
      %dma_start3A_610 = tpu.memref_slice %arg5[%run_scoped3A_25, %dma_start3A_609] : memref<4x128xi32, #tpu.memory_space<vmem>> -> memref<1x128xi32, #tpu.memory_space<vmem>>
      %dma_start3A_611 = tpu.memref_squeeze %dma_start3A_610 : memref<1x128xi32, #tpu.memory_space<vmem>> -> memref<128xi32, #tpu.memory_space<vmem>>
      %dma_start3A_612 = tpu.memref_slice %arg2[%add3A_24] : memref<16384xi32, #tpu.memory_space<hbm>> -> memref<128xi32, #tpu.memory_space<hbm>>
      tpu.enqueue_dma source(%dma_start3A_612 : memref<128xi32, #tpu.memory_space<hbm>>) target(%dma_start3A_611 : memref<128xi32, #tpu.memory_space<vmem>>) target_semaphore(%run_scoped3A_604 : memref<!tpu.dma_semaphore, #tpu.memory_space<semaphore_mem>>)
      %dma_wait3A_613 = arith.constant 0 : i32
      %dma_wait3A_614 = tpu.memref_slice %arg5[%run_scoped3A_25, %dma_wait3A_613] : memref<4x128xi32, #tpu.memory_space<vmem>> -> memref<1x128xi32, #tpu.memory_space<vmem>>
      %dma_wait3A_615 = tpu.memref_squeeze %dma_wait3A_614 : memref<1x128xi32, #tpu.memory_space<vmem>> -> memref<128xi32, #tpu.memory_space<vmem>>
      %dma_wait3A_616 = tpu.memref_slice %arg2[%add3A_24] : memref<16384xi32, #tpu.memory_space<hbm>> -> memref<128xi32, #tpu.memory_space<hbm>>
      %dma_wait3A_617 = arith.constant 0 : i32
      %dma_wait3A_618 = tpu.memref_slice %arg5[%run_scoped3A_25, %dma_wait3A_617] : memref<4x128xi32, #tpu.memory_space<vmem>> -> memref<1x128xi32, #tpu.memory_space<vmem>>
      %dma_wait3A_619 = tpu.memref_squeeze %dma_wait3A_618 : memref<1x128xi32, #tpu.memory_space<vmem>> -> memref<128xi32, #tpu.memory_space<vmem>>
      %dma_wait3A_620 = tpu.memref_slice %arg2[%add3A_24] : memref<16384xi32, #tpu.memory_space<hbm>> -> memref<128xi32, #tpu.memory_space<hbm>>
      tpu.wait_dma2 semaphore(%run_scoped3A_604 : memref<!tpu.dma_semaphore, #tpu.memory_space<semaphore_mem>>) src(%dma_wait3A_620 : memref<128xi32, #tpu.memory_space<hbm>>) dst(%dma_wait3A_619 : memref<128xi32, #tpu.memory_space<vmem>>)
      tpu.yield
    }) : () -> ()
    %add3A_26 = arith.constant 256 : i32
    %add3A_27 = arith.addi %mul3A_2, %add3A_26 : i32
    %run_scoped3A_28 = arith.constant 2 : i32
    "tpu.region"() ({
      %run_scoped3A_604 = tpu.sem_alloc : memref<!tpu.dma_semaphore, #tpu.memory_space<semaphore_mem>>
      %dma_start3A_605 = arith.constant 0 : i32
      %dma_start3A_606 = tpu.memref_slice %arg5[%run_scoped3A_28, %dma_start3A_605] : memref<4x128xi32, #tpu.memory_space<vmem>> -> memref<1x128xi32, #tpu.memory_space<vmem>>
      %dma_start3A_607 = tpu.memref_squeeze %dma_start3A_606 : memref<1x128xi32, #tpu.memory_space<vmem>> -> memref<128xi32, #tpu.memory_space<vmem>>
      %dma_start3A_608 = tpu.memref_slice %arg2[%add3A_27] : memref<16384xi32, #tpu.memory_space<hbm>> -> memref<128xi32, #tpu.memory_space<hbm>>
      %dma_start3A_609 = arith.constant 0 : i32
      %dma_start3A_610 = tpu.memref_slice %arg5[%run_scoped3A_28, %dma_start3A_609] : memref<4x128xi32, #tpu.memory_space<vmem>> -> memref<1x128xi32, #tpu.memory_space<vmem>>
      %dma_start3A_611 = tpu.memref_squeeze %dma_start3A_610 : memref<1x128xi32, #tpu.memory_space<vmem>> -> memref<128xi32, #tpu.memory_space<vmem>>
      %dma_start3A_612 = tpu.memref_slice %arg2[%add3A_27] : memref<16384xi32, #tpu.memory_space<hbm>> -> memref<128xi32, #tpu.memory_space<hbm>>
      tpu.enqueue_dma source(%dma_start3A_612 : memref<128xi32, #tpu.memory_space<hbm>>) target(%dma_start3A_611 : memref<128xi32, #tpu.memory_space<vmem>>) target_semaphore(%run_scoped3A_604 : memref<!tpu.dma_semaphore, #tpu.memory_space<semaphore_mem>>)
      %dma_wait3A_613 = arith.constant 0 : i32
      %dma_wait3A_614 = tpu.memref_slice %arg5[%run_scoped3A_28, %dma_wait3A_613] : memref<4x128xi32, #tpu.memory_space<vmem>> -> memref<1x128xi32, #tpu.memory_space<vmem>>
      %dma_wait3A_615 = tpu.memref_squeeze %dma_wait3A_614 : memref<1x128xi32, #tpu.memory_space<vmem>> -> memref<128xi32, #tpu.memory_space<vmem>>
      %dma_wait3A_616 = tpu.memref_slice %arg2[%add3A_27] : memref<16384xi32, #tpu.memory_space<hbm>> -> memref<128xi32, #tpu.memory_space<hbm>>
      %dma_wait3A_617 = arith.constant 0 : i32
      %dma_wait3A_618 = tpu.memref_slice %arg5[%run_scoped3A_28, %dma_wait3A_617] : memref<4x128xi32, #tpu.memory_space<vmem>> -> memref<1x128xi32, #tpu.memory_space<vmem>>
      %dma_wait3A_619 = tpu.memref_squeeze %dma_wait3A_618 : memref<1x128xi32, #tpu.memory_space<vmem>> -> memref<128xi32, #tpu.memory_space<vmem>>
      %dma_wait3A_620 = tpu.memref_slice %arg2[%add3A_27] : memref<16384xi32, #tpu.memory_space<hbm>> -> memref<128xi32, #tpu.memory_space<hbm>>
      tpu.wait_dma2 semaphore(%run_scoped3A_604 : memref<!tpu.dma_semaphore, #tpu.memory_space<semaphore_mem>>) src(%dma_wait3A_620 : memref<128xi32, #tpu.memory_space<hbm>>) dst(%dma_wait3A_619 : memref<128xi32, #tpu.memory_space<vmem>>)
      tpu.yield
    }) : () -> ()
    %add3A_29 = arith.constant 384 : i32
    %add3A_30 = arith.addi %mul3A_2, %add3A_29 : i32
    %run_scoped3A_31 = arith.constant 3 : i32
    "tpu.region"() ({
      %run_scoped3A_604 = tpu.sem_alloc : memref<!tpu.dma_semaphore, #tpu.memory_space<semaphore_mem>>
      %dma_start3A_605 = arith.constant 0 : i32
      %dma_start3A_606 = tpu.memref_slice %arg5[%run_scoped3A_31, %dma_start3A_605] : memref<4x128xi32, #tpu.memory_space<vmem>> -> memref<1x128xi32, #tpu.memory_space<vmem>>
      %dma_start3A_607 = tpu.memref_squeeze %dma_start3A_606 : memref<1x128xi32, #tpu.memory_space<vmem>> -> memref<128xi32, #tpu.memory_space<vmem>>
      %dma_start3A_608 = tpu.memref_slice %arg2[%add3A_30] : memref<16384xi32, #tpu.memory_space<hbm>> -> memref<128xi32, #tpu.memory_space<hbm>>
      %dma_start3A_609 = arith.constant 0 : i32
      %dma_start3A_610 = tpu.memref_slice %arg5[%run_scoped3A_31, %dma_start3A_609] : memref<4x128xi32, #tpu.memory_space<vmem>> -> memref<1x128xi32, #tpu.memory_space<vmem>>
      %dma_start3A_611 = tpu.memref_squeeze %dma_start3A_610 : memref<1x128xi32, #tpu.memory_space<vmem>> -> memref<128xi32, #tpu.memory_space<vmem>>
      %dma_start3A_612 = tpu.memref_slice %arg2[%add3A_30] : memref<16384xi32, #tpu.memory_space<hbm>> -> memref<128xi32, #tpu.memory_space<hbm>>
      tpu.enqueue_dma source(%dma_start3A_612 : memref<128xi32, #tpu.memory_space<hbm>>) target(%dma_start3A_611 : memref<128xi32, #tpu.memory_space<vmem>>) target_semaphore(%run_scoped3A_604 : memref<!tpu.dma_semaphore, #tpu.memory_space<semaphore_mem>>)
      %dma_wait3A_613 = arith.constant 0 : i32
      %dma_wait3A_614 = tpu.memref_slice %arg5[%run_scoped3A_31, %dma_wait3A_613] : memref<4x128xi32, #tpu.memory_space<vmem>> -> memref<1x128xi32, #tpu.memory_space<vmem>>
      %dma_wait3A_615 = tpu.memref_squeeze %dma_wait3A_614 : memref<1x128xi32, #tpu.memory_space<vmem>> -> memref<128xi32, #tpu.memory_space<vmem>>
      %dma_wait3A_616 = tpu.memref_slice %arg2[%add3A_30] : memref<16384xi32, #tpu.memory_space<hbm>> -> memref<128xi32, #tpu.memory_space<hbm>>
      %dma_wait3A_617 = arith.constant 0 : i32
      %dma_wait3A_618 = tpu.memref_slice %arg5[%run_scoped3A_31, %dma_wait3A_617] : memref<4x128xi32, #tpu.memory_space<vmem>> -> memref<1x128xi32, #tpu.memory_space<vmem>>
      %dma_wait3A_619 = tpu.memref_squeeze %dma_wait3A_618 : memref<1x128xi32, #tpu.memory_space<vmem>> -> memref<128xi32, #tpu.memory_space<vmem>>
      %dma_wait3A_620 = tpu.memref_slice %arg2[%add3A_30] : memref<16384xi32, #tpu.memory_space<hbm>> -> memref<128xi32, #tpu.memory_space<hbm>>
      tpu.wait_dma2 semaphore(%run_scoped3A_604 : memref<!tpu.dma_semaphore, #tpu.memory_space<semaphore_mem>>) src(%dma_wait3A_620 : memref<128xi32, #tpu.memory_space<hbm>>) dst(%dma_wait3A_619 : memref<128xi32, #tpu.memory_space<vmem>>)
      tpu.yield
    }) : () -> ()
    %broadcast_in_dim3A = vector.broadcast %mul3A_20 : i32 to vector<16xi32>
    %get3A = arith.constant 0 : i32
    %get3A_32 = arith.index_cast %get3A : i32 to index
    %get3A_33 = arith.constant 0 : index
    %get3A_34 = tpu.vector_load %arg5[%get3A_32, %get3A_33] {strides = array<i32>} : memref<4x128xi32, #tpu.memory_space<vmem>>, vector<1x16xi32>,
    %get3A_35 = vector.shape_cast %get3A_34 : vector<1x16xi32> to vector<16xi32>
    %add3A_36 = arith.addi %get3A_35, %broadcast_in_dim3A : vector<16xi32>
    %swap3A = arith.constant 0 : i32
    %swap3A_37 = arith.index_cast %swap3A : i32 to index
    %swap3A_38 = arith.constant 0 : index
    %swap3A_39 = tpu.vector_load %arg5[%swap3A_37, %swap3A_38] {strides = array<i32>} : memref<4x128xi32, #tpu.memory_space<vmem>>, vector<1x16xi32>,
    %swap3A_40 = vector.shape_cast %swap3A_39 : vector<1x16xi32> to vector<16xi32>
    %swap3A_41 = vector.shape_cast %add3A_36 : vector<16xi32> to vector<1x16xi32>
    tpu.vector_store %arg5[%swap3A_37, %swap3A_38], %swap3A_41 {strides = array<i32>} : memref<4x128xi32, #tpu.memory_space<vmem>>, vector<1x16xi32>,
    %get3A_42 = arith.constant 0 : i32
    %get3A_43 = arith.index_cast %get3A_42 : i32 to index
    %get3A_44 = arith.constant 16 : index
    %get3A_45 = tpu.vector_load %arg5[%get3A_43, %get3A_44] {strides = array<i32>} : memref<4x128xi32, #tpu.memory_space<vmem>>, vector<1x16xi32>,
    %get3A_46 = vector.shape_cast %get3A_45 : vector<1x16xi32> to vector<16xi32>
    %add3A_47 = arith.addi %get3A_46, %broadcast_in_dim3A : vector<16xi32>
    %swap3A_48 = arith.constant 0 : i32
    %swap3A_49 = arith.index_cast %swap3A_48 : i32 to index
    %swap3A_50 = arith.constant 16 : index
    %swap3A_51 = tpu.vector_load %arg5[%swap3A_49, %swap3A_50] {strides = array<i32>} : memref<4x128xi32, #tpu.memory_space<vmem>>, vector<1x16xi32>,
    %swap3A_52 = vector.shape_cast %swap3A_51 : vector<1x16xi32> to vector<16xi32>
    %swap3A_53 = vector.shape_cast %add3A_47 : vector<16xi32> to vector<1x16xi32>
    tpu.vector_store %arg5[%swap3A_49, %swap3A_50], %swap3A_53 {strides = array<i32>} : memref<4x128xi32, #tpu.memory_space<vmem>>, vector<1x16xi32>,
    %get3A_54 = arith.constant 0 : i32
    %get3A_55 = arith.index_cast %get3A_54 : i32 to index
    %get3A_56 = arith.constant 32 : index
    %get3A_57 = tpu.vector_load %arg5[%get3A_55, %get3A_56] {strides = array<i32>} : memref<4x128xi32, #tpu.memory_space<vmem>>, vector<1x16xi32>,
    %get3A_58 = vector.shape_cast %get3A_57 : vector<1x16xi32> to vector<16xi32>
    %add3A_59 = arith.addi %get3A_58, %broadcast_in_dim3A : vector<16xi32>
    %swap3A_60 = arith.constant 0 : i32
    %swap3A_61 = arith.index_cast %swap3A_60 : i32 to index
    %swap3A_62 = arith.constant 32 : index
    %swap3A_63 = tpu.vector_load %arg5[%swap3A_61, %swap3A_62] {strides = array<i32>} : memref<4x128xi32, #tpu.memory_space<vmem>>, vector<1x16xi32>,
    %swap3A_64 = vector.shape_cast %swap3A_63 : vector<1x16xi32> to vector<16xi32>
    %swap3A_65 = vector.shape_cast %add3A_59 : vector<16xi32> to vector<1x16xi32>
    tpu.vector_store %arg5[%swap3A_61, %swap3A_62], %swap3A_65 {strides = array<i32>} : memref<4x128xi32, #tpu.memory_space<vmem>>, vector<1x16xi32>,
    %get3A_66 = arith.constant 0 : i32
    %get3A_67 = arith.index_cast %get3A_66 : i32 to index
    %get3A_68 = arith.constant 48 : index
    %get3A_69 = tpu.vector_load %arg5[%get3A_67, %get3A_68] {strides = array<i32>} : memref<4x128xi32, #tpu.memory_space<vmem>>, vector<1x16xi32>,
    %get3A_70 = vector.shape_cast %get3A_69 : vector<1x16xi32> to vector<16xi32>
    %add3A_71 = arith.addi %get3A_70, %broadcast_in_dim3A : vector<16xi32>
    %swap3A_72 = arith.constant 0 : i32
    %swap3A_73 = arith.index_cast %swap3A_72 : i32 to index
    %swap3A_74 = arith.constant 48 : index
    %swap3A_75 = tpu.vector_load %arg5[%swap3A_73, %swap3A_74] {strides = array<i32>} : memref<4x128xi32, #tpu.memory_space<vmem>>, vector<1x16xi32>,
    %swap3A_76 = vector.shape_cast %swap3A_75 : vector<1x16xi32> to vector<16xi32>
    %swap3A_77 = vector.shape_cast %add3A_71 : vector<16xi32> to vector<1x16xi32>
    tpu.vector_store %arg5[%swap3A_73, %swap3A_74], %swap3A_77 {strides = array<i32>} : memref<4x128xi32, #tpu.memory_space<vmem>>, vector<1x16xi32>,
    %get3A_78 = arith.constant 0 : i32
    %get3A_79 = arith.index_cast %get3A_78 : i32 to index
    %get3A_80 = arith.constant 64 : index
    %get3A_81 = tpu.vector_load %arg5[%get3A_79, %get3A_80] {strides = array<i32>} : memref<4x128xi32, #tpu.memory_space<vmem>>, vector<1x16xi32>,
    %get3A_82 = vector.shape_cast %get3A_81 : vector<1x16xi32> to vector<16xi32>
    %add3A_83 = arith.addi %get3A_82, %broadcast_in_dim3A : vector<16xi32>
    %swap3A_84 = arith.constant 0 : i32
    %swap3A_85 = arith.index_cast %swap3A_84 : i32 to index
    %swap3A_86 = arith.constant 64 : index
    %swap3A_87 = tpu.vector_load %arg5[%swap3A_85, %swap3A_86] {strides = array<i32>} : memref<4x128xi32, #tpu.memory_space<vmem>>, vector<1x16xi32>,
    %swap3A_88 = vector.shape_cast %swap3A_87 : vector<1x16xi32> to vector<16xi32>
    %swap3A_89 = vector.shape_cast %add3A_83 : vector<16xi32> to vector<1x16xi32>
    tpu.vector_store %arg5[%swap3A_85, %swap3A_86], %swap3A_89 {strides = array<i32>} : memref<4x128xi32, #tpu.memory_space<vmem>>, vector<1x16xi32>,
    %get3A_90 = arith.constant 0 : i32
    %get3A_91 = arith.index_cast %get3A_90 : i32 to index
    %get3A_92 = arith.constant 80 : index
    %get3A_93 = tpu.vector_load %arg5[%get3A_91, %get3A_92] {strides = array<i32>} : memref<4x128xi32, #tpu.memory_space<vmem>>, vector<1x16xi32>,
    %get3A_94 = vector.shape_cast %get3A_93 : vector<1x16xi32> to vector<16xi32>
    %add3A_95 = arith.addi %get3A_94, %broadcast_in_dim3A : vector<16xi32>
    %swap3A_96 = arith.constant 0 : i32
    %swap3A_97 = arith.index_cast %swap3A_96 : i32 to index
    %swap3A_98 = arith.constant 80 : index
    %swap3A_99 = tpu.vector_load %arg5[%swap3A_97, %swap3A_98] {strides = array<i32>} : memref<4x128xi32, #tpu.memory_space<vmem>>, vector<1x16xi32>,
    %swap3A_100 = vector.shape_cast %swap3A_99 : vector<1x16xi32> to vector<16xi32>
    %swap3A_101 = vector.shape_cast %add3A_95 : vector<16xi32> to vector<1x16xi32>
    tpu.vector_store %arg5[%swap3A_97, %swap3A_98], %swap3A_101 {strides = array<i32>} : memref<4x128xi32, #tpu.memory_space<vmem>>, vector<1x16xi32>,
    %get3A_102 = arith.constant 0 : i32
    %get3A_103 = arith.index_cast %get3A_102 : i32 to index
    %get3A_104 = arith.constant 96 : index
    %get3A_105 = tpu.vector_load %arg5[%get3A_103, %get3A_104] {strides = array<i32>} : memref<4x128xi32, #tpu.memory_space<vmem>>, vector<1x16xi32>,
    %get3A_106 = vector.shape_cast %get3A_105 : vector<1x16xi32> to vector<16xi32>
    %add3A_107 = arith.addi %get3A_106, %broadcast_in_dim3A : vector<16xi32>
    %swap3A_108 = arith.constant 0 : i32
    %swap3A_109 = arith.index_cast %swap3A_108 : i32 to index
    %swap3A_110 = arith.constant 96 : index
    %swap3A_111 = tpu.vector_load %arg5[%swap3A_109, %swap3A_110] {strides = array<i32>} : memref<4x128xi32, #tpu.memory_space<vmem>>, vector<1x16xi32>,
    %swap3A_112 = vector.shape_cast %swap3A_111 : vector<1x16xi32> to vector<16xi32>
    %swap3A_113 = vector.shape_cast %add3A_107 : vector<16xi32> to vector<1x16xi32>
    tpu.vector_store %arg5[%swap3A_109, %swap3A_110], %swap3A_113 {strides = array<i32>} : memref<4x128xi32, #tpu.memory_space<vmem>>, vector<1x16xi32>,
    %get3A_114 = arith.constant 0 : i32
    %get3A_115 = arith.index_cast %get3A_114 : i32 to index
    %get3A_116 = arith.constant 112 : index
    %get3A_117 = tpu.vector_load %arg5[%get3A_115, %get3A_116] {strides = array<i32>} : memref<4x128xi32, #tpu.memory_space<vmem>>, vector<1x16xi32>,
    %get3A_118 = vector.shape_cast %get3A_117 : vector<1x16xi32> to vector<16xi32>
    %add3A_119 = arith.addi %get3A_118, %broadcast_in_dim3A : vector<16xi32>
    %swap3A_120 = arith.constant 0 : i32
    %swap3A_121 = arith.index_cast %swap3A_120 : i32 to index
    %swap3A_122 = arith.constant 112 : index
    %swap3A_123 = tpu.vector_load %arg5[%swap3A_121, %swap3A_122] {strides = array<i32>} : memref<4x128xi32, #tpu.memory_space<vmem>>, vector<1x16xi32>,
    %swap3A_124 = vector.shape_cast %swap3A_123 : vector<1x16xi32> to vector<16xi32>
    %swap3A_125 = vector.shape_cast %add3A_119 : vector<16xi32> to vector<1x16xi32>
    tpu.vector_store %arg5[%swap3A_121, %swap3A_122], %swap3A_125 {strides = array<i32>} : memref<4x128xi32, #tpu.memory_space<vmem>>, vector<1x16xi32>,
    %get3A_126 = arith.constant 1 : i32
    %get3A_127 = arith.index_cast %get3A_126 : i32 to index
    %get3A_128 = arith.constant 0 : index
    %get3A_129 = tpu.vector_load %arg5[%get3A_127, %get3A_128] {strides = array<i32>} : memref<4x128xi32, #tpu.memory_space<vmem>>, vector<1x16xi32>,
    %get3A_130 = vector.shape_cast %get3A_129 : vector<1x16xi32> to vector<16xi32>
    %add3A_131 = arith.addi %get3A_130, %broadcast_in_dim3A : vector<16xi32>
    %swap3A_132 = arith.constant 1 : i32
    %swap3A_133 = arith.index_cast %swap3A_132 : i32 to index
    %swap3A_134 = arith.constant 0 : index
    %swap3A_135 = tpu.vector_load %arg5[%swap3A_133, %swap3A_134] {strides = array<i32>} : memref<4x128xi32, #tpu.memory_space<vmem>>, vector<1x16xi32>,
    %swap3A_136 = vector.shape_cast %swap3A_135 : vector<1x16xi32> to vector<16xi32>
    %swap3A_137 = vector.shape_cast %add3A_131 : vector<16xi32> to vector<1x16xi32>
    tpu.vector_store %arg5[%swap3A_133, %swap3A_134], %swap3A_137 {strides = array<i32>} : memref<4x128xi32, #tpu.memory_space<vmem>>, vector<1x16xi32>,
    %get3A_138 = arith.constant 1 : i32
    %get3A_139 = arith.index_cast %get3A_138 : i32 to index
    %get3A_140 = arith.constant 16 : index
    %get3A_141 = tpu.vector_load %arg5[%get3A_139, %get3A_140] {strides = array<i32>} : memref<4x128xi32, #tpu.memory_space<vmem>>, vector<1x16xi32>,
    %get3A_142 = vector.shape_cast %get3A_141 : vector<1x16xi32> to vector<16xi32>
    %add3A_143 = arith.addi %get3A_142, %broadcast_in_dim3A : vector<16xi32>
    %swap3A_144 = arith.constant 1 : i32
    %swap3A_145 = arith.index_cast %swap3A_144 : i32 to index
    %swap3A_146 = arith.constant 16 : index
    %swap3A_147 = tpu.vector_load %arg5[%swap3A_145, %swap3A_146] {strides = array<i32>} : memref<4x128xi32, #tpu.memory_space<vmem>>, vector<1x16xi32>,
    %swap3A_148 = vector.shape_cast %swap3A_147 : vector<1x16xi32> to vector<16xi32>
    %swap3A_149 = vector.shape_cast %add3A_143 : vector<16xi32> to vector<1x16xi32>
    tpu.vector_store %arg5[%swap3A_145, %swap3A_146], %swap3A_149 {strides = array<i32>} : memref<4x128xi32, #tpu.memory_space<vmem>>, vector<1x16xi32>,
    %get3A_150 = arith.constant 1 : i32
    %get3A_151 = arith.index_cast %get3A_150 : i32 to index
    %get3A_152 = arith.constant 32 : index
    %get3A_153 = tpu.vector_load %arg5[%get3A_151, %get3A_152] {strides = array<i32>} : memref<4x128xi32, #tpu.memory_space<vmem>>, vector<1x16xi32>,
    %get3A_154 = vector.shape_cast %get3A_153 : vector<1x16xi32> to vector<16xi32>
    %add3A_155 = arith.addi %get3A_154, %broadcast_in_dim3A : vector<16xi32>
    %swap3A_156 = arith.constant 1 : i32
    %swap3A_157 = arith.index_cast %swap3A_156 : i32 to index
    %swap3A_158 = arith.constant 32 : index
    %swap3A_159 = tpu.vector_load %arg5[%swap3A_157, %swap3A_158] {strides = array<i32>} : memref<4x128xi32, #tpu.memory_space<vmem>>, vector<1x16xi32>,
    %swap3A_160 = vector.shape_cast %swap3A_159 : vector<1x16xi32> to vector<16xi32>
    %swap3A_161 = vector.shape_cast %add3A_155 : vector<16xi32> to vector<1x16xi32>
    tpu.vector_store %arg5[%swap3A_157, %swap3A_158], %swap3A_161 {strides = array<i32>} : memref<4x128xi32, #tpu.memory_space<vmem>>, vector<1x16xi32>,
    %get3A_162 = arith.constant 1 : i32
    %get3A_163 = arith.index_cast %get3A_162 : i32 to index
    %get3A_164 = arith.constant 48 : index
    %get3A_165 = tpu.vector_load %arg5[%get3A_163, %get3A_164] {strides = array<i32>} : memref<4x128xi32, #tpu.memory_space<vmem>>, vector<1x16xi32>,
    %get3A_166 = vector.shape_cast %get3A_165 : vector<1x16xi32> to vector<16xi32>
    %add3A_167 = arith.addi %get3A_166, %broadcast_in_dim3A : vector<16xi32>
    %swap3A_168 = arith.constant 1 : i32
    %swap3A_169 = arith.index_cast %swap3A_168 : i32 to index
    %swap3A_170 = arith.constant 48 : index
    %swap3A_171 = tpu.vector_load %arg5[%swap3A_169, %swap3A_170] {strides = array<i32>} : memref<4x128xi32, #tpu.memory_space<vmem>>, vector<1x16xi32>,
    %swap3A_172 = vector.shape_cast %swap3A_171 : vector<1x16xi32> to vector<16xi32>
    %swap3A_173 = vector.shape_cast %add3A_167 : vector<16xi32> to vector<1x16xi32>
    tpu.vector_store %arg5[%swap3A_169, %swap3A_170], %swap3A_173 {strides = array<i32>} : memref<4x128xi32, #tpu.memory_space<vmem>>, vector<1x16xi32>,
    %get3A_174 = arith.constant 1 : i32
    %get3A_175 = arith.index_cast %get3A_174 : i32 to index
    %get3A_176 = arith.constant 64 : index
    %get3A_177 = tpu.vector_load %arg5[%get3A_175, %get3A_176] {strides = array<i32>} : memref<4x128xi32, #tpu.memory_space<vmem>>, vector<1x16xi32>,
    %get3A_178 = vector.shape_cast %get3A_177 : vector<1x16xi32> to vector<16xi32>
    %add3A_179 = arith.addi %get3A_178, %broadcast_in_dim3A : vector<16xi32>
    %swap3A_180 = arith.constant 1 : i32
    %swap3A_181 = arith.index_cast %swap3A_180 : i32 to index
    %swap3A_182 = arith.constant 64 : index
    %swap3A_183 = tpu.vector_load %arg5[%swap3A_181, %swap3A_182] {strides = array<i32>} : memref<4x128xi32, #tpu.memory_space<vmem>>, vector<1x16xi32>,
    %swap3A_184 = vector.shape_cast %swap3A_183 : vector<1x16xi32> to vector<16xi32>
    %swap3A_185 = vector.shape_cast %add3A_179 : vector<16xi32> to vector<1x16xi32>
    tpu.vector_store %arg5[%swap3A_181, %swap3A_182], %swap3A_185 {strides = array<i32>} : memref<4x128xi32, #tpu.memory_space<vmem>>, vector<1x16xi32>,
    %get3A_186 = arith.constant 1 : i32
    %get3A_187 = arith.index_cast %get3A_186 : i32 to index
    %get3A_188 = arith.constant 80 : index
    %get3A_189 = tpu.vector_load %arg5[%get3A_187, %get3A_188] {strides = array<i32>} : memref<4x128xi32, #tpu.memory_space<vmem>>, vector<1x16xi32>,
    %get3A_190 = vector.shape_cast %get3A_189 : vector<1x16xi32> to vector<16xi32>
    %add3A_191 = arith.addi %get3A_190, %broadcast_in_dim3A : vector<16xi32>
    %swap3A_192 = arith.constant 1 : i32
    %swap3A_193 = arith.index_cast %swap3A_192 : i32 to index
    %swap3A_194 = arith.constant 80 : index
    %swap3A_195 = tpu.vector_load %arg5[%swap3A_193, %swap3A_194] {strides = array<i32>} : memref<4x128xi32, #tpu.memory_space<vmem>>, vector<1x16xi32>,
    %swap3A_196 = vector.shape_cast %swap3A_195 : vector<1x16xi32> to vector<16xi32>
    %swap3A_197 = vector.shape_cast %add3A_191 : vector<16xi32> to vector<1x16xi32>
    tpu.vector_store %arg5[%swap3A_193, %swap3A_194], %swap3A_197 {strides = array<i32>} : memref<4x128xi32, #tpu.memory_space<vmem>>, vector<1x16xi32>,
    %get3A_198 = arith.constant 1 : i32
    %get3A_199 = arith.index_cast %get3A_198 : i32 to index
    %get3A_200 = arith.constant 96 : index
    %get3A_201 = tpu.vector_load %arg5[%get3A_199, %get3A_200] {strides = array<i32>} : memref<4x128xi32, #tpu.memory_space<vmem>>, vector<1x16xi32>,
    %get3A_202 = vector.shape_cast %get3A_201 : vector<1x16xi32> to vector<16xi32>
    %add3A_203 = arith.addi %get3A_202, %broadcast_in_dim3A : vector<16xi32>
    %swap3A_204 = arith.constant 1 : i32
    %swap3A_205 = arith.index_cast %swap3A_204 : i32 to index
    %swap3A_206 = arith.constant 96 : index
    %swap3A_207 = tpu.vector_load %arg5[%swap3A_205, %swap3A_206] {strides = array<i32>} : memref<4x128xi32, #tpu.memory_space<vmem>>, vector<1x16xi32>,
    %swap3A_208 = vector.shape_cast %swap3A_207 : vector<1x16xi32> to vector<16xi32>
    %swap3A_209 = vector.shape_cast %add3A_203 : vector<16xi32> to vector<1x16xi32>
    tpu.vector_store %arg5[%swap3A_205, %swap3A_206], %swap3A_209 {strides = array<i32>} : memref<4x128xi32, #tpu.memory_space<vmem>>, vector<1x16xi32>,
    %get3A_210 = arith.constant 1 : i32
    %get3A_211 = arith.index_cast %get3A_210 : i32 to index
    %get3A_212 = arith.constant 112 : index
    %get3A_213 = tpu.vector_load %arg5[%get3A_211, %get3A_212] {strides = array<i32>} : memref<4x128xi32, #tpu.memory_space<vmem>>, vector<1x16xi32>,
    %get3A_214 = vector.shape_cast %get3A_213 : vector<1x16xi32> to vector<16xi32>
    %add3A_215 = arith.addi %get3A_214, %broadcast_in_dim3A : vector<16xi32>
    %swap3A_216 = arith.constant 1 : i32
    %swap3A_217 = arith.index_cast %swap3A_216 : i32 to index
    %swap3A_218 = arith.constant 112 : index
    %swap3A_219 = tpu.vector_load %arg5[%swap3A_217, %swap3A_218] {strides = array<i32>} : memref<4x128xi32, #tpu.memory_space<vmem>>, vector<1x16xi32>,
    %swap3A_220 = vector.shape_cast %swap3A_219 : vector<1x16xi32> to vector<16xi32>
    %swap3A_221 = vector.shape_cast %add3A_215 : vector<16xi32> to vector<1x16xi32>
    tpu.vector_store %arg5[%swap3A_217, %swap3A_218], %swap3A_221 {strides = array<i32>} : memref<4x128xi32, #tpu.memory_space<vmem>>, vector<1x16xi32>,
    %get3A_222 = arith.constant 2 : i32
    %get3A_223 = arith.index_cast %get3A_222 : i32 to index
    %get3A_224 = arith.constant 0 : index
    %get3A_225 = tpu.vector_load %arg5[%get3A_223, %get3A_224] {strides = array<i32>} : memref<4x128xi32, #tpu.memory_space<vmem>>, vector<1x16xi32>,
    %get3A_226 = vector.shape_cast %get3A_225 : vector<1x16xi32> to vector<16xi32>
    %add3A_227 = arith.addi %get3A_226, %broadcast_in_dim3A : vector<16xi32>
    %swap3A_228 = arith.constant 2 : i32
    %swap3A_229 = arith.index_cast %swap3A_228 : i32 to index
    %swap3A_230 = arith.constant 0 : index
    %swap3A_231 = tpu.vector_load %arg5[%swap3A_229, %swap3A_230] {strides = array<i32>} : memref<4x128xi32, #tpu.memory_space<vmem>>, vector<1x16xi32>,
    %swap3A_232 = vector.shape_cast %swap3A_231 : vector<1x16xi32> to vector<16xi32>
    %swap3A_233 = vector.shape_cast %add3A_227 : vector<16xi32> to vector<1x16xi32>
    tpu.vector_store %arg5[%swap3A_229, %swap3A_230], %swap3A_233 {strides = array<i32>} : memref<4x128xi32, #tpu.memory_space<vmem>>, vector<1x16xi32>,
    %get3A_234 = arith.constant 2 : i32
    %get3A_235 = arith.index_cast %get3A_234 : i32 to index
    %get3A_236 = arith.constant 16 : index
    %get3A_237 = tpu.vector_load %arg5[%get3A_235, %get3A_236] {strides = array<i32>} : memref<4x128xi32, #tpu.memory_space<vmem>>, vector<1x16xi32>,
    %get3A_238 = vector.shape_cast %get3A_237 : vector<1x16xi32> to vector<16xi32>
    %add3A_239 = arith.addi %get3A_238, %broadcast_in_dim3A : vector<16xi32>
    %swap3A_240 = arith.constant 2 : i32
    %swap3A_241 = arith.index_cast %swap3A_240 : i32 to index
    %swap3A_242 = arith.constant 16 : index
    %swap3A_243 = tpu.vector_load %arg5[%swap3A_241, %swap3A_242] {strides = array<i32>} : memref<4x128xi32, #tpu.memory_space<vmem>>, vector<1x16xi32>,
    %swap3A_244 = vector.shape_cast %swap3A_243 : vector<1x16xi32> to vector<16xi32>
    %swap3A_245 = vector.shape_cast %add3A_239 : vector<16xi32> to vector<1x16xi32>
    tpu.vector_store %arg5[%swap3A_241, %swap3A_242], %swap3A_245 {strides = array<i32>} : memref<4x128xi32, #tpu.memory_space<vmem>>, vector<1x16xi32>,
    %get3A_246 = arith.constant 2 : i32
    %get3A_247 = arith.index_cast %get3A_246 : i32 to index
    %get3A_248 = arith.constant 32 : index
    %get3A_249 = tpu.vector_load %arg5[%get3A_247, %get3A_248] {strides = array<i32>} : memref<4x128xi32, #tpu.memory_space<vmem>>, vector<1x16xi32>,
    %get3A_250 = vector.shape_cast %get3A_249 : vector<1x16xi32> to vector<16xi32>
    %add3A_251 = arith.addi %get3A_250, %broadcast_in_dim3A : vector<16xi32>
    %swap3A_252 = arith.constant 2 : i32
    %swap3A_253 = arith.index_cast %swap3A_252 : i32 to index
    %swap3A_254 = arith.constant 32 : index
    %swap3A_255 = tpu.vector_load %arg5[%swap3A_253, %swap3A_254] {strides = array<i32>} : memref<4x128xi32, #tpu.memory_space<vmem>>, vector<1x16xi32>,
    %swap3A_256 = vector.shape_cast %swap3A_255 : vector<1x16xi32> to vector<16xi32>
    %swap3A_257 = vector.shape_cast %add3A_251 : vector<16xi32> to vector<1x16xi32>
    tpu.vector_store %arg5[%swap3A_253, %swap3A_254], %swap3A_257 {strides = array<i32>} : memref<4x128xi32, #tpu.memory_space<vmem>>, vector<1x16xi32>,
    %get3A_258 = arith.constant 2 : i32
    %get3A_259 = arith.index_cast %get3A_258 : i32 to index
    %get3A_260 = arith.constant 48 : index
    %get3A_261 = tpu.vector_load %arg5[%get3A_259, %get3A_260] {strides = array<i32>} : memref<4x128xi32, #tpu.memory_space<vmem>>, vector<1x16xi32>,
    %get3A_262 = vector.shape_cast %get3A_261 : vector<1x16xi32> to vector<16xi32>
    %add3A_263 = arith.addi %get3A_262, %broadcast_in_dim3A : vector<16xi32>
    %swap3A_264 = arith.constant 2 : i32
    %swap3A_265 = arith.index_cast %swap3A_264 : i32 to index
    %swap3A_266 = arith.constant 48 : index
    %swap3A_267 = tpu.vector_load %arg5[%swap3A_265, %swap3A_266] {strides = array<i32>} : memref<4x128xi32, #tpu.memory_space<vmem>>, vector<1x16xi32>,
    %swap3A_268 = vector.shape_cast %swap3A_267 : vector<1x16xi32> to vector<16xi32>
    %swap3A_269 = vector.shape_cast %add3A_263 : vector<16xi32> to vector<1x16xi32>
    tpu.vector_store %arg5[%swap3A_265, %swap3A_266], %swap3A_269 {strides = array<i32>} : memref<4x128xi32, #tpu.memory_space<vmem>>, vector<1x16xi32>,
    %get3A_270 = arith.constant 2 : i32
    %get3A_271 = arith.index_cast %get3A_270 : i32 to index
    %get3A_272 = arith.constant 64 : index
    %get3A_273 = tpu.vector_load %arg5[%get3A_271, %get3A_272] {strides = array<i32>} : memref<4x128xi32, #tpu.memory_space<vmem>>, vector<1x16xi32>,
    %get3A_274 = vector.shape_cast %get3A_273 : vector<1x16xi32> to vector<16xi32>
    %add3A_275 = arith.addi %get3A_274, %broadcast_in_dim3A : vector<16xi32>
    %swap3A_276 = arith.constant 2 : i32
    %swap3A_277 = arith.index_cast %swap3A_276 : i32 to index
    %swap3A_278 = arith.constant 64 : index
    %swap3A_279 = tpu.vector_load %arg5[%swap3A_277, %swap3A_278] {strides = array<i32>} : memref<4x128xi32, #tpu.memory_space<vmem>>, vector<1x16xi32>,
    %swap3A_280 = vector.shape_cast %swap3A_279 : vector<1x16xi32> to vector<16xi32>
    %swap3A_281 = vector.shape_cast %add3A_275 : vector<16xi32> to vector<1x16xi32>
    tpu.vector_store %arg5[%swap3A_277, %swap3A_278], %swap3A_281 {strides = array<i32>} : memref<4x128xi32, #tpu.memory_space<vmem>>, vector<1x16xi32>,
    %get3A_282 = arith.constant 2 : i32
    %get3A_283 = arith.index_cast %get3A_282 : i32 to index
    %get3A_284 = arith.constant 80 : index
    %get3A_285 = tpu.vector_load %arg5[%get3A_283, %get3A_284] {strides = array<i32>} : memref<4x128xi32, #tpu.memory_space<vmem>>, vector<1x16xi32>,
    %get3A_286 = vector.shape_cast %get3A_285 : vector<1x16xi32> to vector<16xi32>
    %add3A_287 = arith.addi %get3A_286, %broadcast_in_dim3A : vector<16xi32>
    %swap3A_288 = arith.constant 2 : i32
    %swap3A_289 = arith.index_cast %swap3A_288 : i32 to index
    %swap3A_290 = arith.constant 80 : index
    %swap3A_291 = tpu.vector_load %arg5[%swap3A_289, %swap3A_290] {strides = array<i32>} : memref<4x128xi32, #tpu.memory_space<vmem>>, vector<1x16xi32>,
    %swap3A_292 = vector.shape_cast %swap3A_291 : vector<1x16xi32> to vector<16xi32>
    %swap3A_293 = vector.shape_cast %add3A_287 : vector<16xi32> to vector<1x16xi32>
    tpu.vector_store %arg5[%swap3A_289, %swap3A_290], %swap3A_293 {strides = array<i32>} : memref<4x128xi32, #tpu.memory_space<vmem>>, vector<1x16xi32>,
    %get3A_294 = arith.constant 2 : i32
    %get3A_295 = arith.index_cast %get3A_294 : i32 to index
    %get3A_296 = arith.constant 96 : index
    %get3A_297 = tpu.vector_load %arg5[%get3A_295, %get3A_296] {strides = array<i32>} : memref<4x128xi32, #tpu.memory_space<vmem>>, vector<1x16xi32>,
    %get3A_298 = vector.shape_cast %get3A_297 : vector<1x16xi32> to vector<16xi32>
    %add3A_299 = arith.addi %get3A_298, %broadcast_in_dim3A : vector<16xi32>
    %swap3A_300 = arith.constant 2 : i32
    %swap3A_301 = arith.index_cast %swap3A_300 : i32 to index
    %swap3A_302 = arith.constant 96 : index
    %swap3A_303 = tpu.vector_load %arg5[%swap3A_301, %swap3A_302] {strides = array<i32>} : memref<4x128xi32, #tpu.memory_space<vmem>>, vector<1x16xi32>,
    %swap3A_304 = vector.shape_cast %swap3A_303 : vector<1x16xi32> to vector<16xi32>
    %swap3A_305 = vector.shape_cast %add3A_299 : vector<16xi32> to vector<1x16xi32>
    tpu.vector_store %arg5[%swap3A_301, %swap3A_302], %swap3A_305 {strides = array<i32>} : memref<4x128xi32, #tpu.memory_space<vmem>>, vector<1x16xi32>,
    %get3A_306 = arith.constant 2 : i32
    %get3A_307 = arith.index_cast %get3A_306 : i32 to index
    %get3A_308 = arith.constant 112 : index
    %get3A_309 = tpu.vector_load %arg5[%get3A_307, %get3A_308] {strides = array<i32>} : memref<4x128xi32, #tpu.memory_space<vmem>>, vector<1x16xi32>,
    %get3A_310 = vector.shape_cast %get3A_309 : vector<1x16xi32> to vector<16xi32>
    %add3A_311 = arith.addi %get3A_310, %broadcast_in_dim3A : vector<16xi32>
    %swap3A_312 = arith.constant 2 : i32
    %swap3A_313 = arith.index_cast %swap3A_312 : i32 to index
    %swap3A_314 = arith.constant 112 : index
    %swap3A_315 = tpu.vector_load %arg5[%swap3A_313, %swap3A_314] {strides = array<i32>} : memref<4x128xi32, #tpu.memory_space<vmem>>, vector<1x16xi32>,
    %swap3A_316 = vector.shape_cast %swap3A_315 : vector<1x16xi32> to vector<16xi32>
    %swap3A_317 = vector.shape_cast %add3A_311 : vector<16xi32> to vector<1x16xi32>
    tpu.vector_store %arg5[%swap3A_313, %swap3A_314], %swap3A_317 {strides = array<i32>} : memref<4x128xi32, #tpu.memory_space<vmem>>, vector<1x16xi32>,
    %get3A_318 = arith.constant 3 : i32
    %get3A_319 = arith.index_cast %get3A_318 : i32 to index
    %get3A_320 = arith.constant 0 : index
    %get3A_321 = tpu.vector_load %arg5[%get3A_319, %get3A_320] {strides = array<i32>} : memref<4x128xi32, #tpu.memory_space<vmem>>, vector<1x16xi32>,
    %get3A_322 = vector.shape_cast %get3A_321 : vector<1x16xi32> to vector<16xi32>
    %add3A_323 = arith.addi %get3A_322, %broadcast_in_dim3A : vector<16xi32>
    %swap3A_324 = arith.constant 3 : i32
    %swap3A_325 = arith.index_cast %swap3A_324 : i32 to index
    %swap3A_326 = arith.constant 0 : index
    %swap3A_327 = tpu.vector_load %arg5[%swap3A_325, %swap3A_326] {strides = array<i32>} : memref<4x128xi32, #tpu.memory_space<vmem>>, vector<1x16xi32>,
    %swap3A_328 = vector.shape_cast %swap3A_327 : vector<1x16xi32> to vector<16xi32>
    %swap3A_329 = vector.shape_cast %add3A_323 : vector<16xi32> to vector<1x16xi32>
    tpu.vector_store %arg5[%swap3A_325, %swap3A_326], %swap3A_329 {strides = array<i32>} : memref<4x128xi32, #tpu.memory_space<vmem>>, vector<1x16xi32>,
    %get3A_330 = arith.constant 3 : i32
    %get3A_331 = arith.index_cast %get3A_330 : i32 to index
    %get3A_332 = arith.constant 16 : index
    %get3A_333 = tpu.vector_load %arg5[%get3A_331, %get3A_332] {strides = array<i32>} : memref<4x128xi32, #tpu.memory_space<vmem>>, vector<1x16xi32>,
    %get3A_334 = vector.shape_cast %get3A_333 : vector<1x16xi32> to vector<16xi32>
    %add3A_335 = arith.addi %get3A_334, %broadcast_in_dim3A : vector<16xi32>
    %swap3A_336 = arith.constant 3 : i32
    %swap3A_337 = arith.index_cast %swap3A_336 : i32 to index
    %swap3A_338 = arith.constant 16 : index
    %swap3A_339 = tpu.vector_load %arg5[%swap3A_337, %swap3A_338] {strides = array<i32>} : memref<4x128xi32, #tpu.memory_space<vmem>>, vector<1x16xi32>,
    %swap3A_340 = vector.shape_cast %swap3A_339 : vector<1x16xi32> to vector<16xi32>
    %swap3A_341 = vector.shape_cast %add3A_335 : vector<16xi32> to vector<1x16xi32>
    tpu.vector_store %arg5[%swap3A_337, %swap3A_338], %swap3A_341 {strides = array<i32>} : memref<4x128xi32, #tpu.memory_space<vmem>>, vector<1x16xi32>,
    %get3A_342 = arith.constant 3 : i32
    %get3A_343 = arith.index_cast %get3A_342 : i32 to index
    %get3A_344 = arith.constant 32 : index
    %get3A_345 = tpu.vector_load %arg5[%get3A_343, %get3A_344] {strides = array<i32>} : memref<4x128xi32, #tpu.memory_space<vmem>>, vector<1x16xi32>,
    %get3A_346 = vector.shape_cast %get3A_345 : vector<1x16xi32> to vector<16xi32>
    %add3A_347 = arith.addi %get3A_346, %broadcast_in_dim3A : vector<16xi32>
    %swap3A_348 = arith.constant 3 : i32
    %swap3A_349 = arith.index_cast %swap3A_348 : i32 to index
    %swap3A_350 = arith.constant 32 : index
    %swap3A_351 = tpu.vector_load %arg5[%swap3A_349, %swap3A_350] {strides = array<i32>} : memref<4x128xi32, #tpu.memory_space<vmem>>, vector<1x16xi32>,
    %swap3A_352 = vector.shape_cast %swap3A_351 : vector<1x16xi32> to vector<16xi32>
    %swap3A_353 = vector.shape_cast %add3A_347 : vector<16xi32> to vector<1x16xi32>
    tpu.vector_store %arg5[%swap3A_349, %swap3A_350], %swap3A_353 {strides = array<i32>} : memref<4x128xi32, #tpu.memory_space<vmem>>, vector<1x16xi32>,
    %get3A_354 = arith.constant 3 : i32
    %get3A_355 = arith.index_cast %get3A_354 : i32 to index
    %get3A_356 = arith.constant 48 : index
    %get3A_357 = tpu.vector_load %arg5[%get3A_355, %get3A_356] {strides = array<i32>} : memref<4x128xi32, #tpu.memory_space<vmem>>, vector<1x16xi32>,
    %get3A_358 = vector.shape_cast %get3A_357 : vector<1x16xi32> to vector<16xi32>
    %add3A_359 = arith.addi %get3A_358, %broadcast_in_dim3A : vector<16xi32>
    %swap3A_360 = arith.constant 3 : i32
    %swap3A_361 = arith.index_cast %swap3A_360 : i32 to index
    %swap3A_362 = arith.constant 48 : index
    %swap3A_363 = tpu.vector_load %arg5[%swap3A_361, %swap3A_362] {strides = array<i32>} : memref<4x128xi32, #tpu.memory_space<vmem>>, vector<1x16xi32>,
    %swap3A_364 = vector.shape_cast %swap3A_363 : vector<1x16xi32> to vector<16xi32>
    %swap3A_365 = vector.shape_cast %add3A_359 : vector<16xi32> to vector<1x16xi32>
    tpu.vector_store %arg5[%swap3A_361, %swap3A_362], %swap3A_365 {strides = array<i32>} : memref<4x128xi32, #tpu.memory_space<vmem>>, vector<1x16xi32>,
    %get3A_366 = arith.constant 3 : i32
    %get3A_367 = arith.index_cast %get3A_366 : i32 to index
    %get3A_368 = arith.constant 64 : index
    %get3A_369 = tpu.vector_load %arg5[%get3A_367, %get3A_368] {strides = array<i32>} : memref<4x128xi32, #tpu.memory_space<vmem>>, vector<1x16xi32>,
    %get3A_370 = vector.shape_cast %get3A_369 : vector<1x16xi32> to vector<16xi32>
    %add3A_371 = arith.addi %get3A_370, %broadcast_in_dim3A : vector<16xi32>
    %swap3A_372 = arith.constant 3 : i32
    %swap3A_373 = arith.index_cast %swap3A_372 : i32 to index
    %swap3A_374 = arith.constant 64 : index
    %swap3A_375 = tpu.vector_load %arg5[%swap3A_373, %swap3A_374] {strides = array<i32>} : memref<4x128xi32, #tpu.memory_space<vmem>>, vector<1x16xi32>,
    %swap3A_376 = vector.shape_cast %swap3A_375 : vector<1x16xi32> to vector<16xi32>
    %swap3A_377 = vector.shape_cast %add3A_371 : vector<16xi32> to vector<1x16xi32>
    tpu.vector_store %arg5[%swap3A_373, %swap3A_374], %swap3A_377 {strides = array<i32>} : memref<4x128xi32, #tpu.memory_space<vmem>>, vector<1x16xi32>,
    %get3A_378 = arith.constant 3 : i32
    %get3A_379 = arith.index_cast %get3A_378 : i32 to index
    %get3A_380 = arith.constant 80 : index
    %get3A_381 = tpu.vector_load %arg5[%get3A_379, %get3A_380] {strides = array<i32>} : memref<4x128xi32, #tpu.memory_space<vmem>>, vector<1x16xi32>,
    %get3A_382 = vector.shape_cast %get3A_381 : vector<1x16xi32> to vector<16xi32>
    %add3A_383 = arith.addi %get3A_382, %broadcast_in_dim3A : vector<16xi32>
    %swap3A_384 = arith.constant 3 : i32
    %swap3A_385 = arith.index_cast %swap3A_384 : i32 to index
    %swap3A_386 = arith.constant 80 : index
    %swap3A_387 = tpu.vector_load %arg5[%swap3A_385, %swap3A_386] {strides = array<i32>} : memref<4x128xi32, #tpu.memory_space<vmem>>, vector<1x16xi32>,
    %swap3A_388 = vector.shape_cast %swap3A_387 : vector<1x16xi32> to vector<16xi32>
    %swap3A_389 = vector.shape_cast %add3A_383 : vector<16xi32> to vector<1x16xi32>
    tpu.vector_store %arg5[%swap3A_385, %swap3A_386], %swap3A_389 {strides = array<i32>} : memref<4x128xi32, #tpu.memory_space<vmem>>, vector<1x16xi32>,
    %get3A_390 = arith.constant 3 : i32
    %get3A_391 = arith.index_cast %get3A_390 : i32 to index
    %get3A_392 = arith.constant 96 : index
    %get3A_393 = tpu.vector_load %arg5[%get3A_391, %get3A_392] {strides = array<i32>} : memref<4x128xi32, #tpu.memory_space<vmem>>, vector<1x16xi32>,
    %get3A_394 = vector.shape_cast %get3A_393 : vector<1x16xi32> to vector<16xi32>
    %add3A_395 = arith.addi %get3A_394, %broadcast_in_dim3A : vector<16xi32>
    %swap3A_396 = arith.constant 3 : i32
    %swap3A_397 = arith.index_cast %swap3A_396 : i32 to index
    %swap3A_398 = arith.constant 96 : index
    %swap3A_399 = tpu.vector_load %arg5[%swap3A_397, %swap3A_398] {strides = array<i32>} : memref<4x128xi32, #tpu.memory_space<vmem>>, vector<1x16xi32>,
    %swap3A_400 = vector.shape_cast %swap3A_399 : vector<1x16xi32> to vector<16xi32>
    %swap3A_401 = vector.shape_cast %add3A_395 : vector<16xi32> to vector<1x16xi32>
    tpu.vector_store %arg5[%swap3A_397, %swap3A_398], %swap3A_401 {strides = array<i32>} : memref<4x128xi32, #tpu.memory_space<vmem>>, vector<1x16xi32>,
    %get3A_402 = arith.constant 3 : i32
    %get3A_403 = arith.index_cast %get3A_402 : i32 to index
    %get3A_404 = arith.constant 112 : index
    %get3A_405 = tpu.vector_load %arg5[%get3A_403, %get3A_404] {strides = array<i32>} : memref<4x128xi32, #tpu.memory_space<vmem>>, vector<1x16xi32>,
    %get3A_406 = vector.shape_cast %get3A_405 : vector<1x16xi32> to vector<16xi32>
    %add3A_407 = arith.addi %get3A_406, %broadcast_in_dim3A : vector<16xi32>
    %swap3A_408 = arith.constant 3 : i32
    %swap3A_409 = arith.index_cast %swap3A_408 : i32 to index
    %swap3A_410 = arith.constant 112 : index
    %swap3A_411 = tpu.vector_load %arg5[%swap3A_409, %swap3A_410] {strides = array<i32>} : memref<4x128xi32, #tpu.memory_space<vmem>>, vector<1x16xi32>,
    %swap3A_412 = vector.shape_cast %swap3A_411 : vector<1x16xi32> to vector<16xi32>
    %swap3A_413 = vector.shape_cast %add3A_407 : vector<16xi32> to vector<1x16xi32>
    tpu.vector_store %arg5[%swap3A_409, %swap3A_410], %swap3A_413 {strides = array<i32>} : memref<4x128xi32, #tpu.memory_space<vmem>>, vector<1x16xi32>,
    %dma_start3A = arith.constant 0 : i32
    %dma_start3A_414 = arith.constant 0 : i32
    %dma_start3A_415 = arith.constant 0 : i32
    %dma_start3A_416 = arith.constant 0 : i32
    %dma_start3A_417 = tpu.memref_slice %arg6[%dma_start3A_415, %dma_start3A_416] : memref<512x128xf32, #tpu.memory_space<vmem>> -> memref<128x128xf32, #tpu.memory_space<vmem>>
    %dma_start3A_418 = arith.constant 0 : i32
    %dma_start3A_419 = tpu.memref_slice %arg5[%dma_start3A, %dma_start3A_418] : memref<4x128xi32, #tpu.memory_space<vmem>> -> memref<1x128xi32, #tpu.memory_space<vmem>>
    %dma_start3A_420 = tpu.memref_squeeze %dma_start3A_419 : memref<1x128xi32, #tpu.memory_space<vmem>> -> memref<128xi32, #tpu.memory_space<vmem>>
    %dma_start3A_421 = arith.constant 0 : i32
    %dma_start3A_422 = arith.constant 0 : i32
    %dma_start3A_423 = tpu.memref_slice %arg3[%dma_start3A_421, %dma_start3A_422] : memref<4000x128xf32, #tpu.memory_space<hbm>> -> memref<4000x128xf32, #tpu.memory_space<hbm>>
    %dma_start3A_424 = tpu.memref_slice %arg7[%dma_start3A_414] : memref<4x!tpu.dma_semaphore, #tpu.memory_space<semaphore_mem>> -> memref<1x!tpu.dma_semaphore, #tpu.memory_space<semaphore_mem>>
    %dma_start3A_425 = tpu.memref_squeeze %dma_start3A_424 : memref<1x!tpu.dma_semaphore, #tpu.memory_space<semaphore_mem>> -> memref<!tpu.dma_semaphore, #tpu.memory_space<semaphore_mem>>
    tpu.enqueue_indirect_dma source(%dma_start3A_423 : memref<4000x128xf32, #tpu.memory_space<hbm>>) target(%dma_start3A_417 : memref<128x128xf32, #tpu.memory_space<vmem>>) offsets(%dma_start3A_420 : memref<128xi32, #tpu.memory_space<vmem>>) semaphore(%dma_start3A_425 : memref<!tpu.dma_semaphore, #tpu.memory_space<semaphore_mem>>)
    %dma_start3A_426 = arith.constant 1 : i32
    %dma_start3A_427 = arith.constant 1 : i32
    %dma_start3A_428 = arith.constant 128 : i32
    %dma_start3A_429 = arith.constant 0 : i32
    %dma_start3A_430 = tpu.memref_slice %arg6[%dma_start3A_428, %dma_start3A_429] : memref<512x128xf32, #tpu.memory_space<vmem>> -> memref<128x128xf32, #tpu.memory_space<vmem>>
    %dma_start3A_431 = arith.constant 0 : i32
    %dma_start3A_432 = tpu.memref_slice %arg5[%dma_start3A_426, %dma_start3A_431] : memref<4x128xi32, #tpu.memory_space<vmem>> -> memref<1x128xi32, #tpu.memory_space<vmem>>
    %dma_start3A_433 = tpu.memref_squeeze %dma_start3A_432 : memref<1x128xi32, #tpu.memory_space<vmem>> -> memref<128xi32, #tpu.memory_space<vmem>>
    %dma_start3A_434 = arith.constant 0 : i32
    %dma_start3A_435 = arith.constant 0 : i32
    %dma_start3A_436 = tpu.memref_slice %arg3[%dma_start3A_434, %dma_start3A_435] : memref<4000x128xf32, #tpu.memory_space<hbm>> -> memref<4000x128xf32, #tpu.memory_space<hbm>>
    %dma_start3A_437 = tpu.memref_slice %arg7[%dma_start3A_427] : memref<4x!tpu.dma_semaphore, #tpu.memory_space<semaphore_mem>> -> memref<1x!tpu.dma_semaphore, #tpu.memory_space<semaphore_mem>>
    %dma_start3A_438 = tpu.memref_squeeze %dma_start3A_437 : memref<1x!tpu.dma_semaphore, #tpu.memory_space<semaphore_mem>> -> memref<!tpu.dma_semaphore, #tpu.memory_space<semaphore_mem>>
    tpu.enqueue_indirect_dma source(%dma_start3A_436 : memref<4000x128xf32, #tpu.memory_space<hbm>>) target(%dma_start3A_430 : memref<128x128xf32, #tpu.memory_space<vmem>>) offsets(%dma_start3A_433 : memref<128xi32, #tpu.memory_space<vmem>>) semaphore(%dma_start3A_438 : memref<!tpu.dma_semaphore, #tpu.memory_space<semaphore_mem>>)
    %dma_start3A_439 = arith.constant 2 : i32
    %dma_start3A_440 = arith.constant 2 : i32
    %dma_start3A_441 = arith.constant 256 : i32
    %dma_start3A_442 = arith.constant 0 : i32
    %dma_start3A_443 = tpu.memref_slice %arg6[%dma_start3A_441, %dma_start3A_442] : memref<512x128xf32, #tpu.memory_space<vmem>> -> memref<128x128xf32, #tpu.memory_space<vmem>>
    %dma_start3A_444 = arith.constant 0 : i32
    %dma_start3A_445 = tpu.memref_slice %arg5[%dma_start3A_439, %dma_start3A_444] : memref<4x128xi32, #tpu.memory_space<vmem>> -> memref<1x128xi32, #tpu.memory_space<vmem>>
    %dma_start3A_446 = tpu.memref_squeeze %dma_start3A_445 : memref<1x128xi32, #tpu.memory_space<vmem>> -> memref<128xi32, #tpu.memory_space<vmem>>
    %dma_start3A_447 = arith.constant 0 : i32
    %dma_start3A_448 = arith.constant 0 : i32
    %dma_start3A_449 = tpu.memref_slice %arg3[%dma_start3A_447, %dma_start3A_448] : memref<4000x128xf32, #tpu.memory_space<hbm>> -> memref<4000x128xf32, #tpu.memory_space<hbm>>
    %dma_start3A_450 = tpu.memref_slice %arg7[%dma_start3A_440] : memref<4x!tpu.dma_semaphore, #tpu.memory_space<semaphore_mem>> -> memref<1x!tpu.dma_semaphore, #tpu.memory_space<semaphore_mem>>
    %dma_start3A_451 = tpu.memref_squeeze %dma_start3A_450 : memref<1x!tpu.dma_semaphore, #tpu.memory_space<semaphore_mem>> -> memref<!tpu.dma_semaphore, #tpu.memory_space<semaphore_mem>>
    tpu.enqueue_indirect_dma source(%dma_start3A_449 : memref<4000x128xf32, #tpu.memory_space<hbm>>) target(%dma_start3A_443 : memref<128x128xf32, #tpu.memory_space<vmem>>) offsets(%dma_start3A_446 : memref<128xi32, #tpu.memory_space<vmem>>) semaphore(%dma_start3A_451 : memref<!tpu.dma_semaphore, #tpu.memory_space<semaphore_mem>>)
    %dma_start3A_452 = arith.constant 3 : i32
    %dma_start3A_453 = arith.constant 3 : i32
    %dma_start3A_454 = arith.constant 384 : i32
    %dma_start3A_455 = arith.constant 0 : i32
    %dma_start3A_456 = tpu.memref_slice %arg6[%dma_start3A_454, %dma_start3A_455] : memref<512x128xf32, #tpu.memory_space<vmem>> -> memref<128x128xf32, #tpu.memory_space<vmem>>
    %dma_start3A_457 = arith.constant 0 : i32
    %dma_start3A_458 = tpu.memref_slice %arg5[%dma_start3A_452, %dma_start3A_457] : memref<4x128xi32, #tpu.memory_space<vmem>> -> memref<1x128xi32, #tpu.memory_space<vmem>>
    %dma_start3A_459 = tpu.memref_squeeze %dma_start3A_458 : memref<1x128xi32, #tpu.memory_space<vmem>> -> memref<128xi32, #tpu.memory_space<vmem>>
    %dma_start3A_460 = arith.constant 0 : i32
    %dma_start3A_461 = arith.constant 0 : i32
    %dma_start3A_462 = tpu.memref_slice %arg3[%dma_start3A_460, %dma_start3A_461] : memref<4000x128xf32, #tpu.memory_space<hbm>> -> memref<4000x128xf32, #tpu.memory_space<hbm>>
    %dma_start3A_463 = tpu.memref_slice %arg7[%dma_start3A_453] : memref<4x!tpu.dma_semaphore, #tpu.memory_space<semaphore_mem>> -> memref<1x!tpu.dma_semaphore, #tpu.memory_space<semaphore_mem>>
    %dma_start3A_464 = tpu.memref_squeeze %dma_start3A_463 : memref<1x!tpu.dma_semaphore, #tpu.memory_space<semaphore_mem>> -> memref<!tpu.dma_semaphore, #tpu.memory_space<semaphore_mem>>
    tpu.enqueue_indirect_dma source(%dma_start3A_462 : memref<4000x128xf32, #tpu.memory_space<hbm>>) target(%dma_start3A_456 : memref<128x128xf32, #tpu.memory_space<vmem>>) offsets(%dma_start3A_459 : memref<128xi32, #tpu.memory_space<vmem>>) semaphore(%dma_start3A_464 : memref<!tpu.dma_semaphore, #tpu.memory_space<semaphore_mem>>)
    %dma_wait3A = arith.constant 0 : i32
    %dma_wait3A_465 = arith.constant 0 : i32
    %dma_wait3A_466 = arith.constant 0 : i32
    %dma_wait3A_467 = arith.constant 0 : i32
    %dma_wait3A_468 = tpu.memref_slice %arg6[%dma_wait3A_466, %dma_wait3A_467] : memref<512x128xf32, #tpu.memory_space<vmem>> -> memref<128x128xf32, #tpu.memory_space<vmem>>
    %dma_wait3A_469 = arith.constant 0 : i32
    %dma_wait3A_470 = tpu.memref_slice %arg5[%dma_wait3A, %dma_wait3A_469] : memref<4x128xi32, #tpu.memory_space<vmem>> -> memref<1x128xi32, #tpu.memory_space<vmem>>
    %dma_wait3A_471 = tpu.memref_squeeze %dma_wait3A_470 : memref<1x128xi32, #tpu.memory_space<vmem>> -> memref<128xi32, #tpu.memory_space<vmem>>
    %dma_wait3A_472 = arith.constant 0 : i32
    %dma_wait3A_473 = arith.constant 0 : i32
    %dma_wait3A_474 = tpu.memref_slice %arg3[%dma_wait3A_472, %dma_wait3A_473] : memref<4000x128xf32, #tpu.memory_space<hbm>> -> memref<4000x128xf32, #tpu.memory_space<hbm>>
    %dma_wait3A_475 = tpu.memref_slice %arg7[%dma_wait3A_465] : memref<4x!tpu.dma_semaphore, #tpu.memory_space<semaphore_mem>> -> memref<1x!tpu.dma_semaphore, #tpu.memory_space<semaphore_mem>>
    %dma_wait3A_476 = tpu.memref_squeeze %dma_wait3A_475 : memref<1x!tpu.dma_semaphore, #tpu.memory_space<semaphore_mem>> -> memref<!tpu.dma_semaphore, #tpu.memory_space<semaphore_mem>>
    tpu.wait_indirect_dma semaphore(%dma_wait3A_476 : memref<!tpu.dma_semaphore, #tpu.memory_space<semaphore_mem>>) src(%dma_wait3A_474 : memref<4000x128xf32, #tpu.memory_space<hbm>>) dst(%dma_wait3A_468 : memref<128x128xf32, #tpu.memory_space<vmem>>)
    %add3A_477 = arith.constant 0 : i32
    %add3A_478 = arith.addi %mul3A_2, %add3A_477 : i32
    %dma_start3A_479 = arith.constant 0 : i32
    %dma_start3A_480 = arith.constant 0 : i32
    %dma_start3A_481 = tpu.memref_slice %arg6[%dma_start3A_479, %dma_start3A_480] : memref<512x128xf32, #tpu.memory_space<vmem>> -> memref<128x128xf32, #tpu.memory_space<vmem>>
    %dma_start3A_482 = arith.constant 0 : i32
    %dma_start3A_483 = tpu.memref_slice %arg4[%add3A_478, %dma_start3A_482] : memref<16384x128xf32, #tpu.memory_space<hbm>> -> memref<128x128xf32, #tpu.memory_space<hbm>>
    %dma_start3A_484 = arith.constant 0 : i32
    %dma_start3A_485 = tpu.memref_slice %arg4[%add3A_478, %dma_start3A_484] : memref<16384x128xf32, #tpu.memory_space<hbm>> -> memref<128x128xf32, #tpu.memory_space<hbm>>
    %dma_start3A_486 = arith.constant 0 : i32
    %dma_start3A_487 = arith.constant 0 : i32
    %dma_start3A_488 = tpu.memref_slice %arg6[%dma_start3A_486, %dma_start3A_487] : memref<512x128xf32, #tpu.memory_space<vmem>> -> memref<128x128xf32, #tpu.memory_space<vmem>>
    tpu.enqueue_dma source(%dma_start3A_488 : memref<128x128xf32, #tpu.memory_space<vmem>>) target(%dma_start3A_485 : memref<128x128xf32, #tpu.memory_space<hbm>>) target_semaphore(%arg8 : memref<!tpu.dma_semaphore, #tpu.memory_space<semaphore_mem>>)
    %dma_wait3A_489 = arith.constant 1 : i32
    %dma_wait3A_490 = arith.constant 1 : i32
    %dma_wait3A_491 = arith.constant 128 : i32
    %dma_wait3A_492 = arith.constant 0 : i32
    %dma_wait3A_493 = tpu.memref_slice %arg6[%dma_wait3A_491, %dma_wait3A_492] : memref<512x128xf32, #tpu.memory_space<vmem>> -> memref<128x128xf32, #tpu.memory_space<vmem>>
    %dma_wait3A_494 = arith.constant 0 : i32
    %dma_wait3A_495 = tpu.memref_slice %arg5[%dma_wait3A_489, %dma_wait3A_494] : memref<4x128xi32, #tpu.memory_space<vmem>> -> memref<1x128xi32, #tpu.memory_space<vmem>>
    %dma_wait3A_496 = tpu.memref_squeeze %dma_wait3A_495 : memref<1x128xi32, #tpu.memory_space<vmem>> -> memref<128xi32, #tpu.memory_space<vmem>>
    %dma_wait3A_497 = arith.constant 0 : i32
    %dma_wait3A_498 = arith.constant 0 : i32
    %dma_wait3A_499 = tpu.memref_slice %arg3[%dma_wait3A_497, %dma_wait3A_498] : memref<4000x128xf32, #tpu.memory_space<hbm>> -> memref<4000x128xf32, #tpu.memory_space<hbm>>
    %dma_wait3A_500 = tpu.memref_slice %arg7[%dma_wait3A_490] : memref<4x!tpu.dma_semaphore, #tpu.memory_space<semaphore_mem>> -> memref<1x!tpu.dma_semaphore, #tpu.memory_space<semaphore_mem>>
    %dma_wait3A_501 = tpu.memref_squeeze %dma_wait3A_500 : memref<1x!tpu.dma_semaphore, #tpu.memory_space<semaphore_mem>> -> memref<!tpu.dma_semaphore, #tpu.memory_space<semaphore_mem>>
    tpu.wait_indirect_dma semaphore(%dma_wait3A_501 : memref<!tpu.dma_semaphore, #tpu.memory_space<semaphore_mem>>) src(%dma_wait3A_499 : memref<4000x128xf32, #tpu.memory_space<hbm>>) dst(%dma_wait3A_493 : memref<128x128xf32, #tpu.memory_space<vmem>>)
    %add3A_502 = arith.constant 128 : i32
    %add3A_503 = arith.addi %mul3A_2, %add3A_502 : i32
    %dma_start3A_504 = arith.constant 128 : i32
    %dma_start3A_505 = arith.constant 0 : i32
    %dma_start3A_506 = tpu.memref_slice %arg6[%dma_start3A_504, %dma_start3A_505] : memref<512x128xf32, #tpu.memory_space<vmem>> -> memref<128x128xf32, #tpu.memory_space<vmem>>
    %dma_start3A_507 = arith.constant 0 : i32
    %dma_start3A_508 = tpu.memref_slice %arg4[%add3A_503, %dma_start3A_507] : memref<16384x128xf32, #tpu.memory_space<hbm>> -> memref<128x128xf32, #tpu.memory_space<hbm>>
    %dma_start3A_509 = arith.constant 0 : i32
    %dma_start3A_510 = tpu.memref_slice %arg4[%add3A_503, %dma_start3A_509] : memref<16384x128xf32, #tpu.memory_space<hbm>> -> memref<128x128xf32, #tpu.memory_space<hbm>>
    %dma_start3A_511 = arith.constant 128 : i32
    %dma_start3A_512 = arith.constant 0 : i32
    %dma_start3A_513 = tpu.memref_slice %arg6[%dma_start3A_511, %dma_start3A_512] : memref<512x128xf32, #tpu.memory_space<vmem>> -> memref<128x128xf32, #tpu.memory_space<vmem>>
    tpu.enqueue_dma source(%dma_start3A_513 : memref<128x128xf32, #tpu.memory_space<vmem>>) target(%dma_start3A_510 : memref<128x128xf32, #tpu.memory_space<hbm>>) target_semaphore(%arg8 : memref<!tpu.dma_semaphore, #tpu.memory_space<semaphore_mem>>)
    %dma_wait3A_514 = arith.constant 2 : i32
    %dma_wait3A_515 = arith.constant 2 : i32
    %dma_wait3A_516 = arith.constant 256 : i32
    %dma_wait3A_517 = arith.constant 0 : i32
    %dma_wait3A_518 = tpu.memref_slice %arg6[%dma_wait3A_516, %dma_wait3A_517] : memref<512x128xf32, #tpu.memory_space<vmem>> -> memref<128x128xf32, #tpu.memory_space<vmem>>
    %dma_wait3A_519 = arith.constant 0 : i32
    %dma_wait3A_520 = tpu.memref_slice %arg5[%dma_wait3A_514, %dma_wait3A_519] : memref<4x128xi32, #tpu.memory_space<vmem>> -> memref<1x128xi32, #tpu.memory_space<vmem>>
    %dma_wait3A_521 = tpu.memref_squeeze %dma_wait3A_520 : memref<1x128xi32, #tpu.memory_space<vmem>> -> memref<128xi32, #tpu.memory_space<vmem>>
    %dma_wait3A_522 = arith.constant 0 : i32
    %dma_wait3A_523 = arith.constant 0 : i32
    %dma_wait3A_524 = tpu.memref_slice %arg3[%dma_wait3A_522, %dma_wait3A_523] : memref<4000x128xf32, #tpu.memory_space<hbm>> -> memref<4000x128xf32, #tpu.memory_space<hbm>>
    %dma_wait3A_525 = tpu.memref_slice %arg7[%dma_wait3A_515] : memref<4x!tpu.dma_semaphore, #tpu.memory_space<semaphore_mem>> -> memref<1x!tpu.dma_semaphore, #tpu.memory_space<semaphore_mem>>
    %dma_wait3A_526 = tpu.memref_squeeze %dma_wait3A_525 : memref<1x!tpu.dma_semaphore, #tpu.memory_space<semaphore_mem>> -> memref<!tpu.dma_semaphore, #tpu.memory_space<semaphore_mem>>
    tpu.wait_indirect_dma semaphore(%dma_wait3A_526 : memref<!tpu.dma_semaphore, #tpu.memory_space<semaphore_mem>>) src(%dma_wait3A_524 : memref<4000x128xf32, #tpu.memory_space<hbm>>) dst(%dma_wait3A_518 : memref<128x128xf32, #tpu.memory_space<vmem>>)
    %add3A_527 = arith.constant 256 : i32
    %add3A_528 = arith.addi %mul3A_2, %add3A_527 : i32
    %dma_start3A_529 = arith.constant 256 : i32
    %dma_start3A_530 = arith.constant 0 : i32
    %dma_start3A_531 = tpu.memref_slice %arg6[%dma_start3A_529, %dma_start3A_530] : memref<512x128xf32, #tpu.memory_space<vmem>> -> memref<128x128xf32, #tpu.memory_space<vmem>>
    %dma_start3A_532 = arith.constant 0 : i32
    %dma_start3A_533 = tpu.memref_slice %arg4[%add3A_528, %dma_start3A_532] : memref<16384x128xf32, #tpu.memory_space<hbm>> -> memref<128x128xf32, #tpu.memory_space<hbm>>
    %dma_start3A_534 = arith.constant 0 : i32
    %dma_start3A_535 = tpu.memref_slice %arg4[%add3A_528, %dma_start3A_534] : memref<16384x128xf32, #tpu.memory_space<hbm>> -> memref<128x128xf32, #tpu.memory_space<hbm>>
    %dma_start3A_536 = arith.constant 256 : i32
    %dma_start3A_537 = arith.constant 0 : i32
    %dma_start3A_538 = tpu.memref_slice %arg6[%dma_start3A_536, %dma_start3A_537] : memref<512x128xf32, #tpu.memory_space<vmem>> -> memref<128x128xf32, #tpu.memory_space<vmem>>
    tpu.enqueue_dma source(%dma_start3A_538 : memref<128x128xf32, #tpu.memory_space<vmem>>) target(%dma_start3A_535 : memref<128x128xf32, #tpu.memory_space<hbm>>) target_semaphore(%arg8 : memref<!tpu.dma_semaphore, #tpu.memory_space<semaphore_mem>>)
    %dma_wait3A_539 = arith.constant 3 : i32
    %dma_wait3A_540 = arith.constant 3 : i32
    %dma_wait3A_541 = arith.constant 384 : i32
    %dma_wait3A_542 = arith.constant 0 : i32
    %dma_wait3A_543 = tpu.memref_slice %arg6[%dma_wait3A_541, %dma_wait3A_542] : memref<512x128xf32, #tpu.memory_space<vmem>> -> memref<128x128xf32, #tpu.memory_space<vmem>>
    %dma_wait3A_544 = arith.constant 0 : i32
    %dma_wait3A_545 = tpu.memref_slice %arg5[%dma_wait3A_539, %dma_wait3A_544] : memref<4x128xi32, #tpu.memory_space<vmem>> -> memref<1x128xi32, #tpu.memory_space<vmem>>
    %dma_wait3A_546 = tpu.memref_squeeze %dma_wait3A_545 : memref<1x128xi32, #tpu.memory_space<vmem>> -> memref<128xi32, #tpu.memory_space<vmem>>
    %dma_wait3A_547 = arith.constant 0 : i32
    %dma_wait3A_548 = arith.constant 0 : i32
    %dma_wait3A_549 = tpu.memref_slice %arg3[%dma_wait3A_547, %dma_wait3A_548] : memref<4000x128xf32, #tpu.memory_space<hbm>> -> memref<4000x128xf32, #tpu.memory_space<hbm>>
    %dma_wait3A_550 = tpu.memref_slice %arg7[%dma_wait3A_540] : memref<4x!tpu.dma_semaphore, #tpu.memory_space<semaphore_mem>> -> memref<1x!tpu.dma_semaphore, #tpu.memory_space<semaphore_mem>>
    %dma_wait3A_551 = tpu.memref_squeeze %dma_wait3A_550 : memref<1x!tpu.dma_semaphore, #tpu.memory_space<semaphore_mem>> -> memref<!tpu.dma_semaphore, #tpu.memory_space<semaphore_mem>>
    tpu.wait_indirect_dma semaphore(%dma_wait3A_551 : memref<!tpu.dma_semaphore, #tpu.memory_space<semaphore_mem>>) src(%dma_wait3A_549 : memref<4000x128xf32, #tpu.memory_space<hbm>>) dst(%dma_wait3A_543 : memref<128x128xf32, #tpu.memory_space<vmem>>)
    %add3A_552 = arith.constant 384 : i32
    %add3A_553 = arith.addi %mul3A_2, %add3A_552 : i32
    %dma_start3A_554 = arith.constant 384 : i32
    %dma_start3A_555 = arith.constant 0 : i32
    %dma_start3A_556 = tpu.memref_slice %arg6[%dma_start3A_554, %dma_start3A_555] : memref<512x128xf32, #tpu.memory_space<vmem>> -> memref<128x128xf32, #tpu.memory_space<vmem>>
    %dma_start3A_557 = arith.constant 0 : i32
    %dma_start3A_558 = tpu.memref_slice %arg4[%add3A_553, %dma_start3A_557] : memref<16384x128xf32, #tpu.memory_space<hbm>> -> memref<128x128xf32, #tpu.memory_space<hbm>>
    %dma_start3A_559 = arith.constant 0 : i32
    %dma_start3A_560 = tpu.memref_slice %arg4[%add3A_553, %dma_start3A_559] : memref<16384x128xf32, #tpu.memory_space<hbm>> -> memref<128x128xf32, #tpu.memory_space<hbm>>
    %dma_start3A_561 = arith.constant 384 : i32
    %dma_start3A_562 = arith.constant 0 : i32
    %dma_start3A_563 = tpu.memref_slice %arg6[%dma_start3A_561, %dma_start3A_562] : memref<512x128xf32, #tpu.memory_space<vmem>> -> memref<128x128xf32, #tpu.memory_space<vmem>>
    tpu.enqueue_dma source(%dma_start3A_563 : memref<128x128xf32, #tpu.memory_space<vmem>>) target(%dma_start3A_560 : memref<128x128xf32, #tpu.memory_space<hbm>>) target_semaphore(%arg8 : memref<!tpu.dma_semaphore, #tpu.memory_space<semaphore_mem>>)
    %dma_wait3A_564 = arith.constant 0 : i32
    %dma_wait3A_565 = arith.constant 0 : i32
    %dma_wait3A_566 = tpu.memref_slice %arg6[%dma_wait3A_564, %dma_wait3A_565] : memref<512x128xf32, #tpu.memory_space<vmem>> -> memref<128x128xf32, #tpu.memory_space<vmem>>
    %dma_wait3A_567 = arith.constant 0 : i32
    %dma_wait3A_568 = tpu.memref_slice %arg4[%add3A_478, %dma_wait3A_567] : memref<16384x128xf32, #tpu.memory_space<hbm>> -> memref<128x128xf32, #tpu.memory_space<hbm>>
    %dma_wait3A_569 = arith.constant 0 : i32
    %dma_wait3A_570 = tpu.memref_slice %arg4[%add3A_478, %dma_wait3A_569] : memref<16384x128xf32, #tpu.memory_space<hbm>> -> memref<128x128xf32, #tpu.memory_space<hbm>>
    %dma_wait3A_571 = arith.constant 0 : i32
    %dma_wait3A_572 = arith.constant 0 : i32
    %dma_wait3A_573 = tpu.memref_slice %arg6[%dma_wait3A_571, %dma_wait3A_572] : memref<512x128xf32, #tpu.memory_space<vmem>> -> memref<128x128xf32, #tpu.memory_space<vmem>>
    tpu.wait_dma2 semaphore(%arg8 : memref<!tpu.dma_semaphore, #tpu.memory_space<semaphore_mem>>) src(%dma_wait3A_573 : memref<128x128xf32, #tpu.memory_space<vmem>>) dst(%dma_wait3A_570 : memref<128x128xf32, #tpu.memory_space<hbm>>)
    %dma_wait3A_574 = arith.constant 128 : i32
    %dma_wait3A_575 = arith.constant 0 : i32
    %dma_wait3A_576 = tpu.memref_slice %arg6[%dma_wait3A_574, %dma_wait3A_575] : memref<512x128xf32, #tpu.memory_space<vmem>> -> memref<128x128xf32, #tpu.memory_space<vmem>>
    %dma_wait3A_577 = arith.constant 0 : i32
    %dma_wait3A_578 = tpu.memref_slice %arg4[%add3A_503, %dma_wait3A_577] : memref<16384x128xf32, #tpu.memory_space<hbm>> -> memref<128x128xf32, #tpu.memory_space<hbm>>
    %dma_wait3A_579 = arith.constant 0 : i32
    %dma_wait3A_580 = tpu.memref_slice %arg4[%add3A_503, %dma_wait3A_579] : memref<16384x128xf32, #tpu.memory_space<hbm>> -> memref<128x128xf32, #tpu.memory_space<hbm>>
    %dma_wait3A_581 = arith.constant 128 : i32
    %dma_wait3A_582 = arith.constant 0 : i32
    %dma_wait3A_583 = tpu.memref_slice %arg6[%dma_wait3A_581, %dma_wait3A_582] : memref<512x128xf32, #tpu.memory_space<vmem>> -> memref<128x128xf32, #tpu.memory_space<vmem>>
    tpu.wait_dma2 semaphore(%arg8 : memref<!tpu.dma_semaphore, #tpu.memory_space<semaphore_mem>>) src(%dma_wait3A_583 : memref<128x128xf32, #tpu.memory_space<vmem>>) dst(%dma_wait3A_580 : memref<128x128xf32, #tpu.memory_space<hbm>>)
    %dma_wait3A_584 = arith.constant 256 : i32
    %dma_wait3A_585 = arith.constant 0 : i32
    %dma_wait3A_586 = tpu.memref_slice %arg6[%dma_wait3A_584, %dma_wait3A_585] : memref<512x128xf32, #tpu.memory_space<vmem>> -> memref<128x128xf32, #tpu.memory_space<vmem>>
    %dma_wait3A_587 = arith.constant 0 : i32
    %dma_wait3A_588 = tpu.memref_slice %arg4[%add3A_528, %dma_wait3A_587] : memref<16384x128xf32, #tpu.memory_space<hbm>> -> memref<128x128xf32, #tpu.memory_space<hbm>>
    %dma_wait3A_589 = arith.constant 0 : i32
    %dma_wait3A_590 = tpu.memref_slice %arg4[%add3A_528, %dma_wait3A_589] : memref<16384x128xf32, #tpu.memory_space<hbm>> -> memref<128x128xf32, #tpu.memory_space<hbm>>
    %dma_wait3A_591 = arith.constant 256 : i32
    %dma_wait3A_592 = arith.constant 0 : i32
    %dma_wait3A_593 = tpu.memref_slice %arg6[%dma_wait3A_591, %dma_wait3A_592] : memref<512x128xf32, #tpu.memory_space<vmem>> -> memref<128x128xf32, #tpu.memory_space<vmem>>
    tpu.wait_dma2 semaphore(%arg8 : memref<!tpu.dma_semaphore, #tpu.memory_space<semaphore_mem>>) src(%dma_wait3A_593 : memref<128x128xf32, #tpu.memory_space<vmem>>) dst(%dma_wait3A_590 : memref<128x128xf32, #tpu.memory_space<hbm>>)
    %dma_wait3A_594 = arith.constant 384 : i32
    %dma_wait3A_595 = arith.constant 0 : i32
    %dma_wait3A_596 = tpu.memref_slice %arg6[%dma_wait3A_594, %dma_wait3A_595] : memref<512x128xf32, #tpu.memory_space<vmem>> -> memref<128x128xf32, #tpu.memory_space<vmem>>
    %dma_wait3A_597 = arith.constant 0 : i32
    %dma_wait3A_598 = tpu.memref_slice %arg4[%add3A_553, %dma_wait3A_597] : memref<16384x128xf32, #tpu.memory_space<hbm>> -> memref<128x128xf32, #tpu.memory_space<hbm>>
    %dma_wait3A_599 = arith.constant 0 : i32
    %dma_wait3A_600 = tpu.memref_slice %arg4[%add3A_553, %dma_wait3A_599] : memref<16384x128xf32, #tpu.memory_space<hbm>> -> memref<128x128xf32, #tpu.memory_space<hbm>>
    %dma_wait3A_601 = arith.constant 384 : i32
    %dma_wait3A_602 = arith.constant 0 : i32
    %dma_wait3A_603 = tpu.memref_slice %arg6[%dma_wait3A_601, %dma_wait3A_602] : memref<512x128xf32, #tpu.memory_space<vmem>> -> memref<128x128xf32, #tpu.memory_space<vmem>>
    tpu.wait_dma2 semaphore(%arg8 : memref<!tpu.dma_semaphore, #tpu.memory_space<semaphore_mem>>) src(%dma_wait3A_603 : memref<128x128xf32, #tpu.memory_space<vmem>>) dst(%dma_wait3A_600 : memref<128x128xf32, #tpu.memory_space<hbm>>)
    return
  }
}

</mosaic_0001>

<sc_bundles>
// kernel: run.3.cloned.1.call-start
scs
__scs_entry_jumppad:
0x0: {  	(pc) =	sbr.rel $0x88, $3  }
0x1: {  	(tag) =	ssettag $0x0;
	lr =	simm.s32 $0x1  }
0x2: {  	[smem:$0x3F9F] =	sst lr;
	_ =	strace $0xD0000000  }
0x3: {  	_ = 	snop  }
0x4: {  	_ = 	snop  }
0x5: {  	_ = 	snop  }
0x6: {  	_ = 	snop  }
0x7: {  	_ = 	snop  }
__scs_overlays_trampoline_lowered:
0x8: {  	[smem:$0x3FAE] =	sst s0  }
0x9: {  	[smem:$0x3FAF] =	sst s1  }
0xa: {  	[smem:$0x3FB0] =	sst s2  }
0xb: {  	[smem:$0x3FB1] =	sst s3  }
0xc: {  	[smem:$0x3FB2] =	sst s4  }
0xd: {  	[smem:$0x3FB3] =	sst s5  }
0xe: {  	[smem:$0x3FB4] =	sst s6  }
0xf: {  	[smem:$0x3FB5] =	sst s7  }
0x10: {  	[smem:$0x3FB6] =	sst s8  }
0x11: {  	[smem:$0x3FB7] =	sst s9;
	s0 =	simm.s32 @!p0 $0x0  }
0x12: {  	s1 =	sld [smem:$0x3F9D];
	s0 =	simm.s32 @p0 $0x1  }
0x13: {  	[smem:$0x3FB8] =	sst s0;
	s0 =	simm.s32 @!p1 $0x0  }
0x14: {  	s2 =	sld [smem:$0x3F9C];
	s0 =	simm.s32 @p1 $0x1  }
0x15: {  	[smem:$0x3FB9] =	sst s0;
	s0 =	simm.s32 @!p2 $0x0  }
0x16: {  	s3 =	sld [smem:$0x3FDB];
	s0 =	simm.s32 @p2 $0x1  }
0x17: {  	s4 =	simm.s32 $0x1BF5;
	[smem:$0x3FBB] =	sst s0  }
0x18: {  	s0 =	sld [smem:$0x3F9E];
	_ =	swait.ge [sflag:s4], $0x0  }
0x19: {  	s7 =	sld [smem:$0x3F9F]  }
0x1a: {  	s8 =	sadd.s32 $0xFFFFE003, lr  }
0x1b: {  	s9 =	sadd.s32 $0xFFFFFEF7, lr;
	s5 =	simm.s32 $0xFFFFFFFF;
	p2 =	slt.u32 s8, $0xFFFFF086  }
0x1c: {  	p1 =	slt.u32 s9, $0xF7A;
	s5 =	simm.s32 @!p2 $0x0  }
0x1d: {  	s5 =	simm.s32 @p1 $0x1;
	p0 =	seq.s32 s7, s2  }
0x1e: {  	s7 =	smul.u32 @!p0 $0xF7A, s2;
	p2 =	seq.s32 @!p0 s5, $0x0  }
0x1f: {  	s9 =	smul.u32 $0xF7A, s1;
	s8 =	simm.s32 @!p0 $0x1BF5;
	p2 =	por !p2, p0  }
0x20: {  	[sflag:s8] =	ssyncset.s32 @!p0 $0xFFFFF086;
	s6 =	sadd.s32 @!p0 s3, s7;
	s7 =	simm.s32 @!p0 $0x108  }
0x21: {  	s3 =	sadd.s32 s3, s9;
	s6 =	sadd.s32 @!p0 $0x88, s6;
	s7 =	simm.s32 @p2 $0x1082  }
0x22: {  	[simem:s7], [sflag:s8] =	dma.local @!p0 [hbm:s6], $0xF7A  }
0x23: {  	s9 =	sor.u32 $0xD0000000, s2;
	s6 =	simm.s32 $0x108;
	_ =	swait.ge @!p0 [sflag:s8], $0x0  }
0x24: {  	s3 =	sadd.s32 $0x88, s3;
	s6 =	simm.s32 @!p1 $0x1082;
	[sflag:s4] =	ssyncset.s32 $0xFFFFF086  }
0x25: {  	[simem:s6], [sflag:s4] =	dma.local [hbm:s3], $0xF7A  }
0x26: {  	[smem:$0x3F9F] =	sst s1;
	(tag) =	ssettag s2;
	_ =	strace s9  }
0x27: {  	s1 =	sld [smem:$0x3FAF]  }
0x28: {  	s2 =	sld [smem:$0x3FB0]  }
0x29: {  	s4 =	sld [smem:$0x3FB2]  }
0x2a: {  	p0 =	seq.s32 s5, $0x0;
	s5 =	sld [smem:$0x3FB3]  }
0x2b: {  	s6 =	sld [smem:$0x3FB4]  }
0x2c: {  	s7 =	sld [smem:$0x3FB5]  }
0x2d: {  	s3 =	simm.s32 $0x108;
	s8 =	sld [smem:$0x3FB6]  }
0x2e: {  	s3 =	simm.s32 @!p0 $0x1082;
	s9 =	sld [smem:$0x3FB7]  }
0x2f: {  	lr =	sadd.s32 s0, s3;
	s0 =	sld [smem:$0x3FAE]  }
0x30: {  	s3 =	sld [smem:$0x3FB1]  }
0x31: {  	[smem:$0x3FBA] =	sst s10  }
0x32: {  	s10 =	sld [smem:$0x3FB8];
	_ =	sdelay $0x3  }
0x33: {  	p0 =	seq.s32 s10, $0x1;
	s10 =	sld [smem:$0x3FBA];
	_ =	sdelay $0x3  }
0x34: {  	[smem:$0x3FBA] =	sst s10  }
0x35: {  	s10 =	sld [smem:$0x3FB9];
	_ =	sdelay $0x3  }
0x36: {  	p1 =	seq.s32 s10, $0x1;
	s10 =	sld [smem:$0x3FBA];
	_ =	sdelay $0x3  }
0x37: {  	[smem:$0x3FBA] =	sst s10  }
0x38: {  	s10 =	sld [smem:$0x3FBB]  }
0x39: {  	_ = 	snop;
	(pc) =	sbr.ind lr, $3  }
0x3a: {  	_ = 	snop  }
0x3b: {  	_ = 	snop  }
0x3c: {  	p2 =	seq.s32 s10, $0x1;
	s10 =	sld [smem:$0x3FBA]  }
0x3d: {  	_ =	shalt  }
0x3e: {  	_ =	shalt  }
0x3f: {  	_ =	shalt  }
0x40: {  	_ =	shalt  }
0x41: {  	_ =	shalt  }
0x42: {  	_ =	shalt  }
0x43: {  	_ =	shalt  }
0x44: {  	_ =	shalt  }
0x45: {  	_ =	shalt  }
0x46: {  	_ =	shalt  }
0x47: {  	_ =	shalt  }
0x48: {  	_ =	shalt  }
0x49: {  	_ =	shalt  }
0x4a: {  	_ =	shalt  }
0x4b: {  	_ =	shalt  }
0x4c: {  	_ =	shalt  }
0x4d: {  	_ =	shalt  }
0x4e: {  	_ =	shalt  }
0x4f: {  	_ =	shalt  }
0x50: {  	_ =	shalt  }
0x51: {  	_ =	shalt  }
0x52: {  	_ =	shalt  }
0x53: {  	_ =	shalt  }
0x54: {  	_ =	shalt  }
0x55: {  	_ =	shalt  }
0x56: {  	_ =	shalt  }
0x57: {  	_ =	shalt  }
0x58: {  	_ =	shalt  }
0x59: {  	_ =	shalt  }
0x5a: {  	_ =	shalt  }
0x5b: {  	_ =	shalt  }
0x5c: {  	_ =	shalt  }
0x5d: {  	_ =	shalt  }
0x5e: {  	_ =	shalt  }
0x5f: {  	_ =	shalt  }
0x60: {  	_ =	shalt  }
0x61: {  	_ =	shalt  }
0x62: {  	_ =	shalt  }
0x63: {  	_ =	shalt  }
0x64: {  	_ =	shalt  }
0x65: {  	_ =	shalt  }
0x66: {  	_ =	shalt  }
0x67: {  	_ =	shalt  }
0x68: {  	_ =	shalt  }
0x69: {  	_ =	shalt  }
0x6a: {  	_ =	shalt  }
0x6b: {  	_ =	shalt  }
0x6c: {  	_ =	shalt  }
0x6d: {  	_ =	shalt  }
0x6e: {  	_ =	shalt  }
0x6f: {  	_ =	shalt  }
0x70: {  	_ =	shalt  }
0x71: {  	_ =	shalt  }
0x72: {  	_ =	shalt  }
0x73: {  	_ =	shalt  }
0x74: {  	_ =	shalt  }
0x75: {  	_ =	shalt  }
0x76: {  	_ =	shalt  }
0x77: {  	_ =	shalt  }
0x78: {  	_ =	shalt  }
0x79: {  	_ =	shalt  }
0x7a: {  	_ =	shalt  }
0x7b: {  	_ =	shalt  }
0x7c: {  	_ =	shalt  }
0x7d: {  	_ =	shalt  }
0x7e: {  	_ =	shalt  }
0x7f: {  	_ =	shalt  }
0x80: {  	_ =	shalt  }
0x81: {  	_ =	shalt  }
0x82: {  	_ =	shalt  }
0x83: {  	_ =	shalt  }
0x84: {  	_ =	shalt  }
0x85: {  	_ =	shalt  }
0x86: {  	_ =	shalt  }
0x87: {  	_ =	shalt  }
.Lfunc_end0:
.L_simem_size_0:
called_computation_lowered:
.L_overlay_start_0:
0x88: {  	s2 =	sld [smem:$0x3FD9]  }
0x89: {  	s3 =	sld [smem:$0x3FFE];
	_ =	sdelay $0x1  }
0x8a: {  	s1 =	srdreg.scid  }
0x8b: {  	s0 =	sand.u32 $0x1, s1  }
0x8c: {  	s18 =	sshll.u32 s0, $0xA;
	s2 =	sadd.s32 s3, s2  }
0x8d: {  	s2 =	sadd.s32 s2, s18  }
0x8e: {  	[smem:$0x3FC6] =	sst s2  }
0x8f: {  	_ = 	snop  }
0x90: {  	s2 =	sld [smem:$0x3FC9]  }
0x91: {  	s19 =	sld [smem:$0x3FC8]  }
0x92: {  	s4 =	sld [smem:$0x3FD0];
	(tm) =	ssettm $0x1  }
0x93: {  	s5 =	sld [smem:$0x3FFB];
	_ =	sdelay $0x3  }
0x94: {  	_ =	strace s5  }
0x95: {  	s5 =	sld [smem:$0x3FFC];
	_ =	sdelay $0x3  }
0x96: {  	_ =	strace s5  }
0x97: {  	s5 =	sld [smem:$0x3FFD];
	_ =	sdelay $0x3  }
0x98: {  	_ =	strace s5  }
0x99: {  	_ =	strace $0x8FFFFFFF  }
0x9a: {  	s20 =	sld [smem:$0x3FDB];
	_ =	sdelay $0x1  }
0x9b: {  	s6 =	simm.s32 $_scs_section_size  }
0x9c: {  	s7 =	simm.s32 $_size__tile_overlayer_lowered;
	s8 =	simm.s32 $_tile_overlayer_lowered  }
0x9d: {  	s23 =	simm.s32 $0x1BFF;
	s22 =	sshll.u32 s8, $0x1;
	s5 =	sadd.s32 s6, s20  }
0x9e: {  	s9 =	simm.s32 $0x0;
	s21 =	sshll.u32 s7, $0x1;
	s7 =	sadd.s32 s22, s5  }
0x9f: {  	[timem:s9], [sflag:s23] =	dma.local [hbm:s7], s21  }
0xa0: {  	_ =	swait.ge [sflag:s23], s21  }
0xa1: {  	s6 =	ssub.s32 $0x0, s21;
	[sflag:s23] =	ssyncset.done $0x0  }
0xa2: {  	[sflag:s23] =	ssyncadd.s32 s6;
	_ =	sdelay $0x1  }
0xa3: {  	s24 =	simm.s32 $0x1B8B  }
0xa4: {  	_ =	swait.ge [sflag:s24], $0x1  }
0xa5: {  	[sflag:s24] =	ssyncset.done $0x0  }
0xa6: {  	s25 =	simm.s32 $0x1B8E;
	[sflag:s24] =	ssyncadd.s32 $0xFFFFFFFF  }
0xa7: {  	s26 =	simm.s32 $execute0_lowered;
	[smem:$0x3FD2] =	sst s25  }
0xa8: {  	s6 =	sshll.u32 s26, $0x1;
	_ =	strace $0x80000046;
	[dreg:$0x1] =	wrdreg $0xFFFFFFFF  }
0xa9: {  	s28 =	simm.s32 $_size_execute0_lowered;
	s5 =	sadd.s32 s5, s6;
	[dreg:$0x0] =	wrdreg $0x0  }
0xaa: {  	s6 =	sshll.u32 s28, $0x1;
	[dreg:$0x2] =	wrdreg s5  }
0xab: {  	[dreg:$0x3] =	wrdreg s6  }
0xac: {  	[dreg:$0x4] =	wrdreg $0xC0  }
0xad: {  	_ =	task [dreg:s9], $0x5FFFF  }
0xae: {  	[dreg:$0x1] =	wrdreg $0xFFFFFFFF  }
0xaf: {  	[dreg:$0x0] =	wrdreg $0x60  }
0xb0: {  	[dreg:$0x2] =	wrdreg s2  }
0xb1: {  	[dreg:$0x3] =	wrdreg s19  }
0xb2: {  	[dreg:$0x4] =	wrdreg s4  }
0xb3: {  	[dreg:$0x5] =	wrdreg $0x9  }
0xb4: {  	_ =	task.clear_ibuf [dreg:s9], $0x6FFFF;
	_ =	strace $0x90000046  }
0xb5: {  	s29 =	simm.s32 $0x9;
	_ =	strace $0x80000048  }
0xb6: {  	_ =	swait.ge [sflag:s29], $0x1  }
0xb7: {  	[sflag:s29] =	ssyncadd.s32 $0xFFFFFFFF  }
0xb8: {  	_ =	strace $0x90000048  }
0xb9: {  	_ =	sfence  }
0xba: {  	s30 =	sld [smem:$0x0];
	_ =	sdelay $0x2  }
0xbb: {  	s31 =	sshll.u32 s1, $0xD;
	s1 =	sshrl.u32 s1, $0x2  }
0xbc: {  	s3 =	sand.u32 $0x4000, s31;
	s1 =	sadd.s32 s1, s30  }
0xbd: {  	s0 =	sor.u32 s3, s0;
	s1 =	sshll.u32 s1, $0x11  }
0xbe: {  	s0 =	sor.u32 s1, s0  }
0xbf: {  	s0 =	sadd.s32 $0x8F2B, s0  }
0xc0: {  	[sflag:s0] =	ssyncadd.remote.s32 $0x1  }
0xc1: {  	_ =	sfence.sel $0xFFFF  }
0xc2: {  	[dreg:$0x0] =	wrdreg $0xFFFFFFFF;
	(pc) =	sbr.abs _section_cstart, $3  }
0xc3: {  	[dreg:$0x1] =	wrdreg $0xFFFFFFFF  }
0xc4: {  	_ =	task.clear_ibuf [dreg:s9], $0x2FFFF;
	_ =	strace $0x9FFFFFFF  }
0xc5: {  	(tm) =	ssettm $0x7FFFFFFF  }
tec
execute0_lowered:
.L_overlay_start_1:
0x0: {  	(tag) =	ssettag $0x1  }
0x1: {  	s10 =	rddreg [dreg:$0x0];
	s1 =	srdreg.scid  }
0x2: {  	s3 =	rddreg [dreg:$0x1];
	s0 =	stileid.u32;
	s13 =	sand.u32 $0x1, s1  }
0x3: {  	s12 =	rddreg [dreg:$0x2];
	s4 =	sshll.u32 s0, $0xA;
	s5 =	sshll.u32 s13, $0x9  }
0x4: {  	s2 =	simm.s32 $0x0;
	s1 =	rddreg [dreg:$0x3];
	s14 =	sor.u32 s5, s4  }
0x5: {  	[smem:$0x7FF] =	sst s2;
	s4 =	sshrl.u32 s14, $0x3  }
0x6: {  	_ =	strace $0x80000047;
	s5 =	simm.s32 $0x6;
	s4 =	sadd.s32 s10, s4  }
0x7: {  	[tilespmem:s2], [sflag:$0x6] =	stream.linear.gather [hbm4b:s4+s2], $0x80, $0x38;
	[tilespmem:$0x10200] =	vst v63  }
0x8: {  	s15 =	sor.u32 $0x80, s14;
	_ =	swait.ge [sflag:s5], $0x80  }
0x9: {  	s6 =	sshrl.u32 s15, $0x3;
	[sflag:s5] =	ssyncset.done $0x0  }
0xa: {  	s7 =	sadd.s32 s10, s6;
	s6 =	simm.s32 $0x80;
	[sflag:s5] =	ssyncadd.s32 $0xFFFFFF80  }
0xb: {  	[tilespmem:s6], [sflag:$0x6] =	stream.linear.gather [hbm4b:s7+s2], $0x80, $0x38;
	[tilespmem:$0x10200] =	vst v63  }
0xc: {  	s16 =	sor.u32 $0x100, s14;
	_ =	swait.ge [sflag:s5], $0x80  }
0xd: {  	s8 =	sshrl.u32 s16, $0x3;
	[sflag:s5] =	ssyncset.done $0x0  }
0xe: {  	s9 =	sadd.s32 s10, s8;
	s8 =	simm.s32 $0x100;
	[sflag:s5] =	ssyncadd.s32 $0xFFFFFF80  }
0xf: {  	[tilespmem:s8], [sflag:$0x6] =	stream.linear.gather [hbm4b:s9+s2], $0x80, $0x38;
	[tilespmem:$0x10200] =	vst v63  }
0x10: {  	s17 =	sor.u32 $0x180, s14;
	_ =	swait.ge [sflag:s5], $0x80  }
0x11: {  	s11 =	sshrl.u32 s17, $0x3;
	[sflag:s5] =	ssyncset.done $0x0  }
0x12: {  	s11 =	sadd.s32 s10, s11;
	s10 =	simm.s32 $0x180;
	[sflag:s5] =	ssyncadd.s32 $0xFFFFFF80  }
0x13: {  	[tilespmem:s10], [sflag:$0x6] =	stream.linear.gather [hbm4b:s11+s2], $0x80, $0x38;
	[tilespmem:$0x10200] =	vst v63  }
0x14: {  	_ =	swait.ge [sflag:s5], $0x80  }
0x15: {  	[sflag:s5] =	ssyncset.done $0x0  }
0x16: {  	[sflag:s5] =	ssyncadd.s32 $0xFFFFFF80  }
0x17: {  	v1 =	vld [tilespmem:$0x1F0]  }
0x18: {  	s18 =	sshrl.u32 s0, $0x2;
	v2 =	vld [tilespmem:$0x1E0]  }
0x19: {  	s18 =	smul.u32 $0x3E8, s18;
	v5 =	vld [tilespmem:$0x1C0]  }
0x1a: {  	v6 =	vld [tilespmem:$0x1B0]  }
0x1b: {  	v0 =	vmov s18;
	v7 =	vld [tilespmem:$0x190]  }
0x1c: {  	v3 =	vld [tilespmem:$0x130];
	v1 =	vadd.s32 v0, v1  }
0x1d: {  	v50 =	vld [tilespmem:$0x120];
	v2 =	vadd.s32 v0, v2;
	[tilespmem:$0x1F0] =	vst v1  }
0x1e: {  	v4 =	vld [tilespmem:$0x1D0];
	v5 =	vadd.s32 v0, v5;
	[tilespmem:$0x1E0] =	vst v2  }
0x1f: {  	v54 =	vld [tilespmem:$0x30];
	v6 =	vadd.s32 v0, v6;
	[tilespmem:$0x1C0] =	vst v5  }
0x20: {  	v60 =	vld [tilespmem:$0x20];
	v7 =	vadd.s32 v0, v7;
	[tilespmem:$0x1B0] =	vst v6  }
0x21: {  	v1 =	vadd.s32 v0, v3;
	v3 =	vld [tilespmem:$0x180];
	[tilespmem:$0x190] =	vst v7  }
0x22: {  	v53 =	vadd.s32 v0, v50;
	[tilespmem:$0x130] =	vst v1;
	v1 =	vld [tilespmem:$0x170]  }
0x23: {  	v47 =	vld [tilespmem:$0x160];
	v2 =	vadd.s32 v0, v4;
	[tilespmem:$0x120] =	vst v53  }
0x24: {  	v57 =	vadd.s32 v0, v54;
	[tilespmem:$0x1D0] =	vst v2;
	v2 =	vld [tilespmem:$0x150]  }
0x25: {  	v49 =	vld [tilespmem:$0xB0];
	v63 =	vadd.s32 v0, v60;
	[tilespmem:$0x30] =	vst v57  }
0x26: {  	v48 =	vld [tilespmem:$0x140];
	[tilespmem:$0x20] =	vst v63;
	v3 =	vadd.s32 v0, v3  }
0x27: {  	v1 =	vadd.s32 v0, v1;
	[tilespmem:$0x180] =	vst v3;
	v3 =	vld [tilespmem:$0x110]  }
0x28: {  	v4 =	vadd.s32 v0, v47;
	[tilespmem:$0x170] =	vst v1;
	v1 =	vld [tilespmem:$0x100]  }
0x29: {  	v52 =	vld [tilespmem:$0xD0];
	[tilespmem:$0x160] =	vst v4;
	v2 =	vadd.s32 v0, v2  }
0x2a: {  	v51 =	vld [tilespmem:$0xE0];
	[tilespmem:$0x150] =	vst v2;
	v2 =	vadd.s32 v0, v49  }
0x2b: {  	v5 =	vadd.s32 v0, v48;
	[tilespmem:$0xB0] =	vst v2;
	v2 =	vld [tilespmem:$0xC0]  }
0x2c: {  	v55 =	vld [tilespmem:$0xA0];
	[tilespmem:$0x140] =	vst v5;
	v3 =	vadd.s32 v0, v3  }
0x2d: {  	v1 =	vadd.s32 v0, v1;
	[tilespmem:$0x110] =	vst v3;
	v3 =	vld [tilespmem:$0x90]  }
0x2e: {  	v6 =	vadd.s32 v0, v52;
	[tilespmem:$0x100] =	vst v1;
	v1 =	vld [tilespmem:$0x80]  }
0x2f: {  	v58 =	vld [tilespmem:$0x50];
	v4 =	vadd.s32 v0, v51;
	[tilespmem:$0xD0] =	vst v6  }
0x30: {  	v56 =	vld [tilespmem:$0x60];
	[tilespmem:$0xE0] =	vst v4;
	v2 =	vadd.s32 v0, v2  }
0x31: {  	v5 =	vadd.s32 v0, v55;
	[tilespmem:$0xC0] =	vst v2;
	v2 =	vld [tilespmem:$0x40]  }
0x32: {  	v59 =	vld [tilespmem:$0x1A0];
	[tilespmem:$0xA0] =	vst v5;
	v3 =	vadd.s32 v0, v3  }
0x33: {  	v1 =	vadd.s32 v0, v1;
	[tilespmem:$0x90] =	vst v3;
	v3 =	vld [tilespmem:$0x10]  }
0x34: {  	v61 =	vld [tilespmem:$0xF0];
	[tilespmem:$0x80] =	vst v1;
	v1 =	vadd.s32 v0, v58  }
0x35: {  	v4 =	vadd.s32 v0, v56;
	[tilespmem:$0x50] =	vst v1;
	v1 =	vld [tilespmem:$0x70]  }
0x36: {  	s20 =	simm.s32 $0x200;
	s19 =	simm.s32 $0x4200;
	s13 =	ssub.s32 $0x2, s13;
	v62 =	vld [tilespmem:$0x0];
	[tilespmem:$0x60] =	vst v4;
	v2 =	vadd.s32 v0, v2  }
0x37: {  	s24 =	simm.s32 $0x1;
	s23 =	simm.s32 $0x2;
	s29 =	sshrl.u32 s13, $0x1;
	[tilespmem:$0x40] =	vst v2;
	v2 =	vadd.s32 v0, v59  }
0x38: {  	s22 =	simm.s32 $0x3;
	s14 =	sshll.u32 s14, $0x4;
	s18 =	ssub.s32 s13, s29;
	[tilespmem:$0x1A0] =	vst v2;
	v2 =	vadd.s32 v0, v3  }
0x39: {  	s21 =	simm.s32 $0x4;
	s13 =	sadd.s32 s12, s14;
	s25 =	smax.u32 s18, $0x1;
	[tilespmem:$0x10] =	vst v2;
	v2 =	vadd.s32 v0, v61  }
0x3a: {  	s30 =	sshll.u32 s15, $0x4;
	s31 =	sshll.u32 s16, $0x4;
	p0 =	sne.s32 s25, $0x1;
	v1 =	vadd.s32 v0, v1;
	[tilespmem:$0xF0] =	vst v2  }
.Ltmp0:
0x3b: {  	s17 =	sshll.u32 s17, $0x4;
	s18 =	simm.s32 $0x8200;
	v2 =	vadd.s32 v0, v62;
	[tilespmem:$0x70] =	vst v1;
	(pc) =	sbr.rel @!p0 .LBB2_2-.Ltmp0, $4  }
0x3c: {  	s15 =	simm.s32 $0x5;
	s16 =	sadd.s32 s12, s30;
	s14 =	sadd.s32 s12, s31;
	[tilespmem:$0x0] =	vst v2  }
0x3d: {  	[tilespmem:s20], [sflag:$0x1] =	stream.indirect.gather [hbm4b:s3+s6], $0x80, s2, s6, $0xb8;
	[tilespmem:$0x10200] =	vst v63  }
0x3e: {  	s12 =	sadd.s32 s12, s17;
	s17 =	simm.s32 $0xC200;
	s25 =	sadd.s32 $0xFFFFFFFF, s25  }
0x3f: {  	[tilespmem:s19], [sflag:$0x2] =	stream.indirect.gather [hbm4b:s3+s6], $0x80, s6, s6, $0xb8;
	[tilespmem:$0x10200] =	vst v63  }
.LBB2_1:
0x40: {  	p0 =	sne.s32 s25, $0x1;
	s25 =	sadd.s32 $0xFFFFFFFF, s25  }
0x41: {  	[tilespmem:s18], [sflag:$0x3] =	stream.indirect.gather [hbm4b:s3+s6], $0x80, s8, s6, $0xb8;
	[tilespmem:$0x10200] =	vst v63  }
0x42: {  	_ = 	snop  }
0x43: {  	[tilespmem:s17], [sflag:$0x4] =	stream.indirect.gather [hbm4b:s3+s6], $0x80, s10, s6, $0xb8;
	[tilespmem:$0x10200] =	vst v63  }
0x44: {  	_ =	swait.ge [sflag:s24], $0x4000  }
0x45: {  	[sflag:s24] =	ssyncset.done $0x0  }
0x46: {  	[sflag:s24] =	ssyncadd.s32 $0xFFFFC000  }
0x47: {  	[hbm4b:s13+s2] =	stream.linear.scatter [tilespmem:s20], [sflag:$0x5], $0x4000, $0x38;
	[tilespmem:$0x10200] =	vst v63  }
0x48: {  	_ =	swait.ge [sflag:s23], $0x4000  }
0x49: {  	[sflag:s23] =	ssyncset.done $0x0  }
0x4a: {  	[sflag:s23] =	ssyncadd.s32 $0xFFFFC000  }
0x4b: {  	[hbm4b:s16+s2] =	stream.linear.scatter [tilespmem:s19], [sflag:$0x5], $0x4000, $0x38;
	[tilespmem:$0x10200] =	vst v63  }
0x4c: {  	_ =	swait.ge [sflag:s22], $0x4000  }
0x4d: {  	[sflag:s22] =	ssyncset.done $0x0  }
0x4e: {  	[sflag:s22] =	ssyncadd.s32 $0xFFFFC000  }
0x4f: {  	[hbm4b:s14+s2] =	stream.linear.scatter [tilespmem:s18], [sflag:$0x5], $0x4000, $0x38;
	[tilespmem:$0x10200] =	vst v63  }
0x50: {  	_ =	swait.ge [sflag:s21], $0x4000  }
0x51: {  	[sflag:s21] =	ssyncset.done $0x0  }
0x52: {  	[sflag:s21] =	ssyncadd.s32 $0xFFFFC000  }
0x53: {  	[hbm4b:s12+s2] =	stream.linear.scatter [tilespmem:s17], [sflag:$0x5], $0x4000, $0x38;
	[tilespmem:$0x10200] =	vst v63  }
0x54: {  	_ =	swait.ge [sflag:s15], $0x4000  }
0x55: {  	[sflag:s15] =	ssyncset.done $0x0  }
0x56: {  	[sflag:s15] =	ssyncadd.s32 $0xFFFFC000  }
0x57: {  	_ =	swait.ge [sflag:s15], $0x4000  }
0x58: {  	[sflag:s15] =	ssyncset.done $0x0  }
0x59: {  	[sflag:s15] =	ssyncadd.s32 $0xFFFFC000  }
0x5a: {  	_ =	swait.ge [sflag:s15], $0x4000  }
0x5b: {  	[sflag:s15] =	ssyncset.done $0x0  }
0x5c: {  	[sflag:s15] =	ssyncadd.s32 $0xFFFFC000  }
0x5d: {  	_ =	swait.ge [sflag:s15], $0x4000  }
0x5e: {  	[sflag:s15] =	ssyncset.done $0x0  }
0x5f: {  	[sflag:s15] =	ssyncadd.s32 $0xFFFFC000  }
0x60: {  	[tilespmem:s2], [sflag:$0x6] =	stream.linear.gather [hbm4b:s4+s2], $0x80, $0x38;
	[tilespmem:$0x10200] =	vst v63  }
0x61: {  	_ =	swait.ge [sflag:s5], $0x80  }
0x62: {  	[sflag:s5] =	ssyncset.done $0x0  }
0x63: {  	[sflag:s5] =	ssyncadd.s32 $0xFFFFFF80  }
0x64: {  	[tilespmem:s6], [sflag:$0x6] =	stream.linear.gather [hbm4b:s7+s2], $0x80, $0x38;
	[tilespmem:$0x10200] =	vst v63  }
0x65: {  	_ =	swait.ge [sflag:s5], $0x80  }
0x66: {  	[sflag:s5] =	ssyncset.done $0x0  }
0x67: {  	[sflag:s5] =	ssyncadd.s32 $0xFFFFFF80  }
0x68: {  	[tilespmem:s8], [sflag:$0x6] =	stream.linear.gather [hbm4b:s9+s2], $0x80, $0x38;
	[tilespmem:$0x10200] =	vst v63  }
0x69: {  	_ =	swait.ge [sflag:s5], $0x80  }
0x6a: {  	[sflag:s5] =	ssyncset.done $0x0  }
0x6b: {  	[sflag:s5] =	ssyncadd.s32 $0xFFFFFF80  }
0x6c: {  	[tilespmem:s10], [sflag:$0x6] =	stream.linear.gather [hbm4b:s11+s2], $0x80, $0x38;
	[tilespmem:$0x10200] =	vst v63  }
0x6d: {  	_ =	swait.ge [sflag:s5], $0x80  }
0x6e: {  	[sflag:s5] =	ssyncset.done $0x0  }
0x6f: {  	[sflag:s5] =	ssyncadd.s32 $0xFFFFFF80  }
0x70: {  	v1 =	vld [tilespmem:$0x1F0]  }
0x71: {  	v2 =	vld [tilespmem:$0x1E0]  }
0x72: {  	v3 =	vld [tilespmem:$0x130]  }
0x73: {  	v4 =	vld [tilespmem:$0x1D0]  }
0x74: {  	v5 =	vld [tilespmem:$0x1C0]  }
0x75: {  	v6 =	vld [tilespmem:$0x1B0];
	v1 =	vadd.s32 v0, v1  }
0x76: {  	v7 =	vld [tilespmem:$0x190];
	v2 =	vadd.s32 v0, v2;
	[tilespmem:$0x1F0] =	vst v1  }
0x77: {  	v1 =	vadd.s32 v0, v3;
	v3 =	vld [tilespmem:$0x180];
	[tilespmem:$0x1E0] =	vst v2  }
0x78: {  	[tilespmem:$0x130] =	vst v1;
	v1 =	vld [tilespmem:$0x170];
	v2 =	vadd.s32 v0, v4  }
0x79: {  	v4 =	vld [tilespmem:$0x160];
	v5 =	vadd.s32 v0, v5;
	[tilespmem:$0x1D0] =	vst v2  }
0x7a: {  	v2 =	vld [tilespmem:$0x150];
	v6 =	vadd.s32 v0, v6;
	[tilespmem:$0x1C0] =	vst v5  }
0x7b: {  	v5 =	vld [tilespmem:$0x140];
	v7 =	vadd.s32 v0, v7;
	[tilespmem:$0x1B0] =	vst v6  }
0x7c: {  	v6 =	vld [tilespmem:$0xB0];
	v3 =	vadd.s32 v0, v3;
	[tilespmem:$0x190] =	vst v7  }
0x7d: {  	v7 =	vld [tilespmem:$0x120];
	v1 =	vadd.s32 v0, v1;
	[tilespmem:$0x180] =	vst v3  }
0x7e: {  	v3 =	vld [tilespmem:$0x110];
	v4 =	vadd.s32 v0, v4;
	[tilespmem:$0x170] =	vst v1  }
0x7f: {  	v1 =	vld [tilespmem:$0x100];
	v2 =	vadd.s32 v0, v2;
	[tilespmem:$0x160] =	vst v4  }
0x80: {  	v4 =	vld [tilespmem:$0xE0];
	v5 =	vadd.s32 v0, v5;
	[tilespmem:$0x150] =	vst v2  }
0x81: {  	v2 =	vadd.s32 v0, v6;
	v6 =	vld [tilespmem:$0xD0];
	[tilespmem:$0x140] =	vst v5  }
0x82: {  	[tilespmem:$0xB0] =	vst v2;
	v2 =	vld [tilespmem:$0xC0];
	v5 =	vadd.s32 v0, v7  }
0x83: {  	v7 =	vld [tilespmem:$0x30];
	v3 =	vadd.s32 v0, v3;
	[tilespmem:$0x120] =	vst v5  }
0x84: {  	v5 =	vld [tilespmem:$0xA0];
	v1 =	vadd.s32 v0, v1;
	[tilespmem:$0x110] =	vst v3  }
0x85: {  	v3 =	vld [tilespmem:$0x90];
	v4 =	vadd.s32 v0, v4;
	[tilespmem:$0x100] =	vst v1  }
0x86: {  	v1 =	vld [tilespmem:$0x80];
	v6 =	vadd.s32 v0, v6;
	[tilespmem:$0xE0] =	vst v4  }
0x87: {  	v4 =	vld [tilespmem:$0x60];
	v2 =	vadd.s32 v0, v2;
	[tilespmem:$0xD0] =	vst v6  }
0x88: {  	v6 =	vadd.s32 v0, v7;
	v7 =	vld [tilespmem:$0x50];
	[tilespmem:$0xC0] =	vst v2  }
0x89: {  	[tilespmem:$0x30] =	vst v6;
	v2 =	vld [tilespmem:$0x40];
	v5 =	vadd.s32 v0, v5  }
0x8a: {  	v3 =	vadd.s32 v0, v3;
	[tilespmem:$0xA0] =	vst v5;
	v5 =	vld [tilespmem:$0x1A0]  }
0x8b: {  	v6 =	vld [tilespmem:$0x20];
	v1 =	vadd.s32 v0, v1;
	[tilespmem:$0x90] =	vst v3  }
0x8c: {  	v3 =	vld [tilespmem:$0x10];
	v4 =	vadd.s32 v0, v4;
	[tilespmem:$0x80] =	vst v1  }
0x8d: {  	v1 =	vadd.s32 v0, v7;
	[tilespmem:$0x60] =	vst v4;
	v4 =	vld [tilespmem:$0xF0]  }
0x8e: {  	v2 =	vadd.s32 v0, v2;
	[tilespmem:$0x50] =	vst v1;
	v1 =	vld [tilespmem:$0x70]  }
0x8f: {  	v7 =	vld [tilespmem:$0x0];
	[tilespmem:$0x40] =	vst v2;
	v2 =	vadd.s32 v0, v5  }
0x90: {  	v5 =	vadd.s32 v0, v6;
	[tilespmem:$0x1A0] =	vst v2  }
0x91: {  	v2 =	vadd.s32 v0, v3;
	[tilespmem:$0x20] =	vst v5  }
0x92: {  	[tilespmem:$0x10] =	vst v2;
	v2 =	vadd.s32 v0, v4  }
0x93: {  	v1 =	vadd.s32 v0, v1;
	[tilespmem:$0xF0] =	vst v2  }
.Ltmp1:
0x94: {  	v2 =	vadd.s32 v0, v7;
	[tilespmem:$0x70] =	vst v1;
	(pc) =	sbr.rel @p0 .LBB2_1-.Ltmp1, $4  }
0x95: {  	[tilespmem:$0x0] =	vst v2  }
0x96: {  	[tilespmem:s20], [sflag:$0x1] =	stream.indirect.gather [hbm4b:s3+s6], $0x80, s2, s6, $0xb8;
	[tilespmem:$0x10200] =	vst v63  }
0x97: {  	_ = 	snop  }
0x98: {  	[tilespmem:s19], [sflag:$0x2] =	stream.indirect.gather [hbm4b:s3+s6], $0x80, s6, s6, $0xb8;
	[tilespmem:$0x10200] =	vst v63  }
.LBB2_2:
0x99: {  	[tilespmem:s18], [sflag:$0x3] =	stream.indirect.gather [hbm4b:s3+s6], $0x80, s8, s6, $0xb8;
	[tilespmem:$0x10200] =	vst v63  }
0x9a: {  	_ = 	snop  }
0x9b: {  	[tilespmem:s17], [sflag:$0x4] =	stream.indirect.gather [hbm4b:s3+s6], $0x80, s10, s6, $0xb8;
	[tilespmem:$0x10200] =	vst v63  }
0x9c: {  	_ =	swait.ge [sflag:s24], $0x4000  }
0x9d: {  	[sflag:s24] =	ssyncset.done $0x0  }
0x9e: {  	[sflag:s24] =	ssyncadd.s32 $0xFFFFC000  }
0x9f: {  	[hbm4b:s13+s2] =	stream.linear.scatter [tilespmem:s20], [sflag:$0x5], $0x4000, $0x38;
	[tilespmem:$0x10200] =	vst v63  }
0xa0: {  	_ =	swait.ge [sflag:s23], $0x4000  }
0xa1: {  	[sflag:s23] =	ssyncset.done $0x0  }
0xa2: {  	[sflag:s23] =	ssyncadd.s32 $0xFFFFC000  }
0xa3: {  	[hbm4b:s16+s2] =	stream.linear.scatter [tilespmem:s19], [sflag:$0x5], $0x4000, $0x38;
	[tilespmem:$0x10200] =	vst v63  }
0xa4: {  	_ =	swait.ge [sflag:s22], $0x4000  }
0xa5: {  	[sflag:s22] =	ssyncset.done $0x0  }
0xa6: {  	[sflag:s22] =	ssyncadd.s32 $0xFFFFC000  }
0xa7: {  	[hbm4b:s14+s2] =	stream.linear.scatter [tilespmem:s18], [sflag:$0x5], $0x4000, $0x38;
	[tilespmem:$0x10200] =	vst v63  }
0xa8: {  	_ =	swait.ge [sflag:s21], $0x4000  }
0xa9: {  	[sflag:s21] =	ssyncset.done $0x0  }
0xaa: {  	[sflag:s21] =	ssyncadd.s32 $0xFFFFC000  }
0xab: {  	[hbm4b:s12+s2] =	stream.linear.scatter [tilespmem:s17], [sflag:$0x5], $0x4000, $0x38;
	[tilespmem:$0x10200] =	vst v63  }
0xac: {  	_ =	swait.ge [sflag:s15], $0x4000  }
0xad: {  	[sflag:s15] =	ssyncset.done $0x0  }
0xae: {  	[sflag:s15] =	ssyncadd.s32 $0xFFFFC000  }
0xaf: {  	_ =	swait.ge [sflag:s15], $0x4000  }
0xb0: {  	[sflag:s15] =	ssyncset.done $0x0  }
0xb1: {  	[sflag:s15] =	ssyncadd.s32 $0xFFFFC000  }
0xb2: {  	_ =	swait.ge [sflag:s15], $0x4000  }
0xb3: {  	[sflag:s15] =	ssyncset.done $0x0  }
0xb4: {  	[sflag:s15] =	ssyncadd.s32 $0xFFFFC000  }
0xb5: {  	_ =	swait.ge [sflag:s15], $0x4000  }
0xb6: {  	[sflag:s15] =	ssyncset.done $0x0  }
0xb7: {  	[sflag:s15] =	ssyncadd.s32 $0xFFFFC000  }
0xb8: {  	_ =	sfence.sel $0x180000  }
0xb9: {  	[bflag:$0x0] =	sbarrier.arrive $0xFFFF  }
0xba: {  	p0 =	sne.s32 s0, $0x0;
	_ =	strace $0x90000047  }
0xbb: {  	s0 =	sadd.s32 @!p0 $0x100000, s1;
	[bflag:$0x2] =	sbarrier.arrive $0xFFFF  }
0xbc: {  	[sflag:s0] =	ssyncadd.tile.s32 @!p0 $0x1;
	_ =	shalt  }
.Lfunc_end2:
_tile_overlayer_lowered:
.L_overlay_start_2:
0xbd: {  	(tag) =	ssettag $0x2  }
0xbe: {  	s0 =	rddreg [dreg:$0x0];
	s2 =	stileid.u32  }
0xbf: {  	s1 =	rddreg [dreg:$0x1];
	p0 =	sne.s32 s2, $0x0  }
0xc0: {  	s3 =	rddreg [dreg:$0x2];
	[bflag:$0x3] =	sbarrier.arrive $0xFFFF;
	s2 =	simm.s32 @!p0 $0x1C06  }
0xc1: {  	[timem:s3], [sflag:s2] =	dma.local @!p0 [hbm:s0], s1  }
0xc2: {  	s0 =	simm.s32 @!p0 $0x6  }
0xc3: {  	_ =	swait.ge @!p0 [sflag:s0], s1  }
0xc4: {  	s1 =	ssub.s32 @!p0 $0x0, s1;
	[sflag:s0] =	ssyncset.done @!p0 $0x0  }
0xc5: {  	[sflag:s0] =	ssyncadd.s32 @!p0 s1  }
0xc6: {  	[bflag:$0x3] =	sbarrier.arrive $0xFFFF  }
0xc7: {  	_ =	shalt  }

</sc_bundles>
